<compile_context>
chip_gen: v7x
topology: tpu7x:2x2x1
jax: 0.10.2.dev20260603
libtpu: 0.0.44.dev20260713+nightly
codegen_flags: <defaults>
</compile_context>

<pallas_src>
import functools

import jax
import jax.numpy as jnp
from jax import lax
from jax.experimental import pallas as pl
from jax.experimental.pallas import tpu as pltpu
from jax.experimental.pallas import tpu_sc as plsc

_LANES = 16
_NC = 2
_NS = 16


def _encode_kernel(gtT_ref, extT_ref, tab_ref):
    gtT = gtT_ref[...]
    extT = extT_ref[...]
    h = gtT[6:7, :]
    nb = gtT.shape[1]
    tab_ref[...] = jnp.concatenate(
        [gtT[0:3, :],
         jnp.cos(h),
         jnp.sin(h),
         gtT[3:6, :] * 0.5,
         extT[3:6, :] * 0.5,
         jnp.log(jnp.maximum(gtT[3:6, :], 1e-3)),
         jnp.zeros((2, nb), jnp.float32)], axis=0)


def _bcast_lane(v, j):
    idx = jnp.full((_LANES,), j, jnp.int32)
    return jnp.take_along_axis(v, idx, axis=0, mode="promise_in_bounds")


def _assign_kernel(pts_ref, gtT_ref, extT_ref, cls_ref, box_ref, *,
                   n_boxes, m_per_b):
    pts = pts_ref[...]
    gtT = gtT_ref[...]
    extT = extT_ref[...]

    bs = pts[:, 0:1].astype(jnp.int32)
    x = pts[:, 1:2]
    y = pts[:, 2:3]
    z = pts[:, 3:4]

    np_ = pts.shape[0]
    lane = jax.lax.broadcasted_iota(jnp.int32, (np_, n_boxes), 1)
    bmask = (lane // m_per_b) == bs

    def in_flags(t):
        cosa = jnp.cos(t[6:7, :])
        sina = jnp.sin(t[6:7, :])
        sx = x - t[0:1, :]
        sy = y - t[1:2, :]
        sz = z - t[2:3, :]
        lx = sx * cosa + sy * sina
        ly = -sx * sina + sy * cosa
        return ((jnp.abs(lx) <= t[3:4, :] * 0.5)
                & (jnp.abs(ly) <= t[4:5, :] * 0.5)
                & (jnp.abs(sz) <= t[5:6, :] * 0.5)
                & bmask)

    inb = in_flags(gtT)
    ine = in_flags(extT)

    fg = jnp.any(inb, axis=1, keepdims=True)
    exta = jnp.any(ine, axis=1, keepdims=True)
    ignore = jnp.logical_xor(fg, exta)
    cls_ref[...] = jnp.where(ignore, -1, jnp.where(fg, 1, 0)).astype(jnp.int32)

    hit = jnp.min(jnp.where(inb, lane, n_boxes), axis=1, keepdims=True)
    hitb = lane == hit

    enc = jnp.concatenate(
        [gtT[0:3, :],
         jnp.log(jnp.maximum(gtT[3:6, :], 1e-3)),
         jnp.cos(gtT[6:7, :]),
         jnp.sin(gtT[6:7, :])], axis=0)

    g = jnp.concatenate(
        [jnp.sum(jnp.where(hitb, enc[r:r + 1, :], 0.0), axis=1, keepdims=True)
         for r in range(8)], axis=1)
    offs = g[:, 0:3] - jnp.concatenate([x, y, z], axis=1)
    box = jnp.concatenate([offs, g[:, 3:8]], axis=1)
    box_ref[...] = box * fg.astype(jnp.float32)


def _sc_body(tab_hbm, pts_hbm, cls_hbm, box_hbm, tab_v, pts_v, cls_v, box_v,
             *, g_lo, rem, nb, m_per_b, n_batches, n_total, tile_max):
    wid = lax.axis_index("s") * _NC + lax.axis_index("c")
    main_pts = g_lo * _LANES
    has_tail = wid < rem
    base = wid * main_pts + jnp.minimum(wid, rem) * _LANES
    n_groups = jnp.where(has_tail, g_lo + 1, g_lo)
    pltpu.sync_copy(tab_hbm, tab_v)
    for r in range(4):
        pltpu.sync_copy(pts_hbm.at[pl.ds(r * n_total + base, main_pts)],
                        pts_v.at[pl.ds(r * tile_max, main_pts)])

    @pl.when(has_tail)
    def _():
        for r in range(4):
            pltpu.sync_copy(
                pts_hbm.at[pl.ds(r * n_total + base + main_pts, _LANES)],
                pts_v.at[pl.ds(r * tile_max + main_pts, _LANES)])

    big = jnp.int32(16384)

    nk = m_per_b // _LANES

    def group(g, carry):
        s = g * _LANES
        iota = lax.broadcasted_iota(jnp.int32, (_LANES,), 0)
        bsv = pts_v[pl.ds(s, _LANES)].astype(jnp.int32)
        xv = pts_v[pl.ds(tile_max + s, _LANES)]
        yv = pts_v[pl.ds(2 * tile_max + s, _LANES)]
        zv = pts_v[pl.ds(3 * tile_max + s, _LANES)]

        def chunk_body(cc, st2):
            fh, ea = st2
            off = cc * _LANES
            pm = bsv == cc // nk
            cxv = tab_v[0, pl.ds(off, _LANES)]
            cyv = tab_v[1, pl.ds(off, _LANES)]
            czv = tab_v[2, pl.ds(off, _LANES)]
            cav = tab_v[3, pl.ds(off, _LANES)]
            sav = tab_v[4, pl.ds(off, _LANES)]
            hxv = tab_v[5, pl.ds(off, _LANES)]
            hyv = tab_v[6, pl.ds(off, _LANES)]
            hzv = tab_v[7, pl.ds(off, _LANES)]
            exv = tab_v[8, pl.ds(off, _LANES)]
            eyv = tab_v[9, pl.ds(off, _LANES)]
            ezv = tab_v[10, pl.ds(off, _LANES)]

            def jbody(j, st3):
                fh, ea = st3
                sx = xv - _bcast_lane(cxv, j)
                sy = yv - _bcast_lane(cyv, j)
                sz = zv - _bcast_lane(czv, j)
                ca = _bcast_lane(cav, j)
                sa = _bcast_lane(sav, j)
                lx = sx * ca + sy * sa
                ly = -sx * sa + sy * ca
                alx = jnp.abs(lx)
                aly = jnp.abs(ly)
                alz = jnp.abs(sz)
                ing = ((alx <= _bcast_lane(hxv, j))
                       & (aly <= _bcast_lane(hyv, j))
                       & (alz <= _bcast_lane(hzv, j)) & pm)
                ine = ((alx <= _bcast_lane(exv, j))
                       & (aly <= _bcast_lane(eyv, j))
                       & (alz <= _bcast_lane(ezv, j)) & pm)
                fh = jnp.minimum(fh, jnp.where(ing, off + j, big))
                ea = jnp.where(ine, jnp.int32(1), ea)
                return fh, ea

            return lax.fori_loop(0, _LANES, jbody, (fh, ea))

        fh0 = jnp.full((_LANES,), big, jnp.int32)
        ea0 = jnp.zeros((_LANES,), jnp.int32)
        bmin = bsv[0]
        bmax = bsv[_LANES - 1]
        fh, ea = lax.fori_loop(bmin * nk, (bmax + 1) * nk, chunk_body,
                               (fh0, ea0))

        found = fh < big
        ign = jnp.logical_xor(found, ea != 0)
        cls = jnp.where(ign, -1, jnp.where(found, 1, 0)).astype(jnp.int32)
        cls_v[pl.ds(s, _LANES)] = cls

        safe = jnp.where(found, fh, 0)
        pvv = (xv, yv, zv)
        row_sel = (0, 1, 2, 11, 12, 13, 3, 4)
        for r_out in range(8):
            val = plsc.load_gather(tab_v, [jnp.full((_LANES,), row_sel[r_out], jnp.int32), safe])
            if r_out < 3:
                val = val - pvv[r_out]
            val = jnp.where(found, val, 0.0)
            plsc.store_scatter(box_v, [s + iota, jnp.full((_LANES,), r_out,
                                                          jnp.int32)], val)
        return carry

    lax.fori_loop(0, n_groups, group, 0)
    pltpu.sync_copy(cls_v.at[pl.ds(0, main_pts)],
                    cls_hbm.at[pl.ds(base, main_pts)])
    pltpu.sync_copy(box_v.at[pl.ds(0, main_pts)],
                    box_hbm.at[pl.ds(base, main_pts)])

    @pl.when(has_tail)
    def _():
        pltpu.sync_copy(cls_v.at[pl.ds(main_pts, _LANES)],
                        cls_hbm.at[pl.ds(base + main_pts, _LANES)])
        pltpu.sync_copy(box_v.at[pl.ds(main_pts, _LANES)],
                        box_hbm.at[pl.ds(base + main_pts, _LANES)])


def kernel(points, gt_boxes, extend_gt_boxes):
    n = points.shape[0]
    b, m, c = gt_boxes.shape
    nb = b * m
    n_rows = 16
    gtT = gt_boxes.reshape(nb, c).T
    extT = extend_gt_boxes.reshape(nb, c).T

    table = pl.pallas_call(
        _encode_kernel,
        in_specs=[pl.BlockSpec((c, nb), lambda: (0, 0)),
                  pl.BlockSpec((c, nb), lambda: (0, 0))],
        out_specs=pl.BlockSpec((n_rows, nb), lambda: (0, 0)),
        out_shape=jax.ShapeDtypeStruct((n_rows, nb), jnp.float32),
    )(gtT, extT)

    blk = 2000
    n_tc = min(n, 3 * blk)
    n_sc = n - n_tc

    nw = _NC * _NS
    g_total = n_sc // _LANES
    g_lo = g_total // nw
    rem = g_total % nw
    tile_max = (g_lo + 1) * _LANES

    mesh = plsc.VectorSubcoreMesh(core_axis_name="c", subcore_axis_name="s")
    body = functools.partial(_sc_body, g_lo=g_lo, rem=rem,
                             nb=nb, m_per_b=m, n_batches=b,
                             n_total=n_sc, tile_max=tile_max)
    cls_s, box_s = pl.kernel(
        body,
        out_type=[jax.ShapeDtypeStruct((n_sc,), jnp.int32),
                  jax.ShapeDtypeStruct((n_sc, 8), jnp.float32)],
        mesh=mesh,
        compiler_params=pltpu.CompilerParams(needs_layout_passes=False),
        scratch_types=[
            pltpu.VMEM((n_rows, nb), jnp.float32),
            pltpu.VMEM((tile_max * 4,), jnp.float32),
            pltpu.VMEM((tile_max,), jnp.int32),
            pltpu.VMEM((tile_max, 8), jnp.float32),
        ],
    )(table, points[n_tc:].T.reshape(-1))

    tc_body = functools.partial(_assign_kernel, n_boxes=nb, m_per_b=m)
    cls_t, box_t = pl.pallas_call(
        tc_body,
        grid=(n_tc // blk,),
        in_specs=[
            pl.BlockSpec((blk, 4), lambda i: (i, 0)),
            pl.BlockSpec((c, nb), lambda i: (0, 0)),
            pl.BlockSpec((c, nb), lambda i: (0, 0)),
        ],
        out_specs=[
            pl.BlockSpec((blk, 1), lambda i: (i, 0)),
            pl.BlockSpec((blk, 8), lambda i: (i, 0)),
        ],
        out_shape=[
            jax.ShapeDtypeStruct((n_tc, 1), jnp.int32),
            jax.ShapeDtypeStruct((n_tc, 8), jnp.float32),
        ],
    )(points[:n_tc], gtT, extT)

    cls = jnp.concatenate([cls_t[:, 0], cls_s])
    box = jnp.concatenate([box_t, box_s], axis=0)
    return cls, box

# --- scband reference (transcript-rebuilt; emitter-appended) ---
"""Pipeline reference for scband-point-head-template-24206435680322 (READ-ONLY COPY).

The authoritative reference and input builder live on the scoring server;
editing this copy changes nothing except your own understanding.
"""

import jax, jax.numpy as jnp
import numpy as np

N = 20000
B = 4
M = 64

def setup_inputs(seed: int = 0) -> dict:
    key = jax.random.key(seed)
    k1, k2, k3, k4, k5, k6, k7 = jax.random.split(key, 7)
    bs = jnp.sort(jax.random.randint(k1, (N,), 0, B)).astype(jnp.float32)
    xy = jax.random.uniform(k2, (N, 2), minval=-50.0, maxval=50.0)
    z = jax.random.uniform(k3, (N, 1), minval=-3.0, maxval=1.0)
    points = jnp.concatenate([bs[:, None], xy, z], axis=1)
    centers_xy = jax.random.uniform(k4, (B, M, 2), minval=-40.0, maxval=40.0)
    centers_z = jax.random.uniform(k5, (B, M, 1), minval=-2.0, maxval=0.0)
    dims = jax.random.uniform(k6, (B, M, 3), minval=1.5, maxval=4.5)
    heading = jax.random.uniform(k7, (B, M, 1), minval=-3.14, maxval=3.14)
    cls = jnp.ones((B, M, 1), dtype=jnp.float32)
    gt_boxes = jnp.concatenate([centers_xy, centers_z, dims, heading, cls], axis=2)
    extend_gt_boxes = gt_boxes.at[..., 3:6].add(1.0)
    return {"points": points, "gt_boxes": gt_boxes, "extend_gt_boxes": extend_gt_boxes}

def _points_in_boxes(pts, boxes):
    # pts: (N, 3); boxes: (N, M, 7) per-point batch-gathered boxes (cx,cy,cz,dx,dy,dz,heading)
    shift = pts[:, None, :] - boxes[..., 0:3]
    h = boxes[..., 6]
    cosa = jnp.cos(h)
    sina = jnp.sin(h)
    lx = shift[..., 0] * cosa + shift[..., 1] * sina
    ly = -shift[..., 0] * sina + shift[..., 1] * cosa
    lz = shift[..., 2]
    in_flag = (jnp.abs(lx) <= boxes[..., 3] * 0.5) & (jnp.abs(ly) <= boxes[..., 4] * 0.5) & (jnp.abs(lz) <= boxes[..., 5] * 0.5)
    any_in = jnp.any(in_flag, axis=1)
    idx = jnp.where(any_in, jnp.argmax(in_flag, axis=1), -1)
    return idx

def reference(points, gt_boxes, extend_gt_boxes):
    # Faithful jax version of PointHeadTemplate.assign_stack_targets with
    # set_ignore_flag=True, ret_box_labels=True, num_class=1, vectorized over the batch loop.
    bs = points[:, 0].astype(jnp.int32)
    pts = points[:, 1:4]
    boxes_pp = jnp.take(gt_boxes, bs, axis=0)          # (N, M, 8) gather per-point scene boxes
    ext_pp = jnp.take(extend_gt_boxes, bs, axis=0)     # (N, M, 8)
    box_idx = _points_in_boxes(pts, boxes_pp[..., 0:7])
    ext_idx = _points_in_boxes(pts, ext_pp[..., 0:7])
    fg = box_idx >= 0
    ignore = jnp.logical_xor(fg, ext_idx >= 0)
    point_cls_labels = jnp.where(fg, 1, 0)
    point_cls_labels = jnp.where(ignore, -1, point_cls_labels).astype(jnp.int32)
    safe_idx = jnp.clip(box_idx, 0, None)
    gt_fg = jnp.take_along_axis(boxes_pp, safe_idx[:, None, None], axis=1)[:, 0, :]  # (N, 8)
    offs = gt_fg[:, 0:3] - pts
    dims = jnp.log(jnp.maximum(gt_fg[:, 3:6], 1e-3))
    ang = jnp.stack([jnp.cos(gt_fg[:, 6]), jnp.sin(gt_fg[:, 6])], axis=1)
    point_box_labels = jnp.concatenate([offs, dims, ang], axis=1) * fg[:, None].astype(points.dtype)
    return point_cls_labels, point_box_labels

if __name__ == "__main__":
    import jax
    _d = setup_inputs()
    print(jax.jit(kernel)(*tuple(_d.values())))

</pallas_src>

<mosaic_0001>
#map = affine_map<(d0, d1) -> (0, 0)>
#map1 = affine_map<(d0, d1) -> (0)>
module attributes {stable_mosaic.version = 14 : i64} {
  func.func @_sc_body(%arg0: i32, %arg1: i32, %arg2: memref<16x256xf32, #tpu.memory_space<hbm>>, %arg3: memref<56000xf32, #tpu.memory_space<hbm>>, %arg4: memref<14000xi32, #tpu.memory_space<hbm>>, %arg5: memref<14000x8xf32, #tpu.memory_space<hbm>>, %arg6: memref<16x256xf32, #tpu.memory_space<vmem>>, %arg7: memref<1792xf32, #tpu.memory_space<vmem>>, %arg8: memref<448xi32, #tpu.memory_space<vmem>>, %arg9: memref<448x8xf32, #tpu.memory_space<vmem>>) attributes {dimension_semantics = [#tpu.dimension_semantics<core_parallel>, #tpu.dimension_semantics<subcore_parallel>], iteration_bounds = array<i64: 2, 16>, scalar_prefetch = 0 : i64, scratch_operands = 4 : i64, tpu.core_type = #tpu.core_type<sc_vector_subcore>, window_params = [{transform_indices = #map}, {transform_indices = #map1}, {transform_indices = #map1}, {transform_indices = #map}]} {
    %mul3A = arith.constant 2 : i32
    %mul3A_0 = arith.muli %arg1, %mul3A : i32
    %add3A = arith.addi %mul3A_0, %arg0 : i32
    %lt3A = arith.constant 11 : i32
    %lt3A_1 = arith.cmpi slt, %add3A, %lt3A : i32
    %mul3A_2 = arith.constant 432 : i32
    %mul3A_3 = arith.muli %add3A, %mul3A_2 : i32
    %min3A = arith.constant 11 : i32
    %min3A_4 = arith.minsi %add3A, %min3A : i32
    %mul3A_5 = arith.constant 16 : i32
    %mul3A_6 = arith.muli %min3A_4, %mul3A_5 : i32
    %add3A_7 = arith.addi %mul3A_3, %mul3A_6 : i32
    %jit3A = arith.constant 28 : i32
    %jit3A_8 = arith.constant 27 : i32
    %select_n3A = arith.select %lt3A_1, %jit3A, %jit3A_8 : i32
    "tpu.region"() ({
      %run_scoped3A = tpu.sem_alloc : memref<!tpu.dma_semaphore, #tpu.memory_space<semaphore_mem>>
      tpu.enqueue_dma source(%arg2 : memref<16x256xf32, #tpu.memory_space<hbm>>) target(%arg6 : memref<16x256xf32, #tpu.memory_space<vmem>>) target_semaphore(%run_scoped3A : memref<!tpu.dma_semaphore, #tpu.memory_space<semaphore_mem>>)
      tpu.wait_dma2 semaphore(%run_scoped3A : memref<!tpu.dma_semaphore, #tpu.memory_space<semaphore_mem>>) src(%arg2 : memref<16x256xf32, #tpu.memory_space<hbm>>) dst(%arg6 : memref<16x256xf32, #tpu.memory_space<vmem>>)
      tpu.yield
    }) : () -> ()
    %add3A_9 = arith.constant 0 : i32
    %add3A_10 = arith.addi %add3A_9, %add3A_7 : i32
    "tpu.region"() ({
      %run_scoped3A = tpu.sem_alloc : memref<!tpu.dma_semaphore, #tpu.memory_space<semaphore_mem>>
      %dma_start3A = arith.constant 0 : i32
      %dma_start3A_31 = tpu.memref_slice %arg7[%dma_start3A] : memref<1792xf32, #tpu.memory_space<vmem>> -> memref<432xf32, #tpu.memory_space<vmem>>
      %dma_start3A_32 = tpu.memref_slice %arg3[%add3A_10] : memref<56000xf32, #tpu.memory_space<hbm>> -> memref<432xf32, #tpu.memory_space<hbm>>
      %dma_start3A_33 = arith.constant 0 : i32
      %dma_start3A_34 = tpu.memref_slice %arg7[%dma_start3A_33] : memref<1792xf32, #tpu.memory_space<vmem>> -> memref<432xf32, #tpu.memory_space<vmem>>
      %dma_start3A_35 = tpu.memref_slice %arg3[%add3A_10] : memref<56000xf32, #tpu.memory_space<hbm>> -> memref<432xf32, #tpu.memory_space<hbm>>
      tpu.enqueue_dma source(%dma_start3A_35 : memref<432xf32, #tpu.memory_space<hbm>>) target(%dma_start3A_34 : memref<432xf32, #tpu.memory_space<vmem>>) target_semaphore(%run_scoped3A : memref<!tpu.dma_semaphore, #tpu.memory_space<semaphore_mem>>)
      %dma_wait3A = arith.constant 0 : i32
      %dma_wait3A_36 = tpu.memref_slice %arg7[%dma_wait3A] : memref<1792xf32, #tpu.memory_space<vmem>> -> memref<432xf32, #tpu.memory_space<vmem>>
      %dma_wait3A_37 = tpu.memref_slice %arg3[%add3A_10] : memref<56000xf32, #tpu.memory_space<hbm>> -> memref<432xf32, #tpu.memory_space<hbm>>
      %dma_wait3A_38 = arith.constant 0 : i32
      %dma_wait3A_39 = tpu.memref_slice %arg7[%dma_wait3A_38] : memref<1792xf32, #tpu.memory_space<vmem>> -> memref<432xf32, #tpu.memory_space<vmem>>
      %dma_wait3A_40 = tpu.memref_slice %arg3[%add3A_10] : memref<56000xf32, #tpu.memory_space<hbm>> -> memref<432xf32, #tpu.memory_space<hbm>>
      tpu.wait_dma2 semaphore(%run_scoped3A : memref<!tpu.dma_semaphore, #tpu.memory_space<semaphore_mem>>) src(%dma_wait3A_40 : memref<432xf32, #tpu.memory_space<hbm>>) dst(%dma_wait3A_39 : memref<432xf32, #tpu.memory_space<vmem>>)
      tpu.yield
    }) : () -> ()
    %add3A_11 = arith.constant 14000 : i32
    %add3A_12 = arith.addi %add3A_11, %add3A_7 : i32
    "tpu.region"() ({
      %run_scoped3A = tpu.sem_alloc : memref<!tpu.dma_semaphore, #tpu.memory_space<semaphore_mem>>
      %dma_start3A = arith.constant 448 : i32
      %dma_start3A_31 = tpu.memref_slice %arg7[%dma_start3A] : memref<1792xf32, #tpu.memory_space<vmem>> -> memref<432xf32, #tpu.memory_space<vmem>>
      %dma_start3A_32 = tpu.memref_slice %arg3[%add3A_12] : memref<56000xf32, #tpu.memory_space<hbm>> -> memref<432xf32, #tpu.memory_space<hbm>>
      %dma_start3A_33 = arith.constant 448 : i32
      %dma_start3A_34 = tpu.memref_slice %arg7[%dma_start3A_33] : memref<1792xf32, #tpu.memory_space<vmem>> -> memref<432xf32, #tpu.memory_space<vmem>>
      %dma_start3A_35 = tpu.memref_slice %arg3[%add3A_12] : memref<56000xf32, #tpu.memory_space<hbm>> -> memref<432xf32, #tpu.memory_space<hbm>>
      tpu.enqueue_dma source(%dma_start3A_35 : memref<432xf32, #tpu.memory_space<hbm>>) target(%dma_start3A_34 : memref<432xf32, #tpu.memory_space<vmem>>) target_semaphore(%run_scoped3A : memref<!tpu.dma_semaphore, #tpu.memory_space<semaphore_mem>>)
      %dma_wait3A = arith.constant 448 : i32
      %dma_wait3A_36 = tpu.memref_slice %arg7[%dma_wait3A] : memref<1792xf32, #tpu.memory_space<vmem>> -> memref<432xf32, #tpu.memory_space<vmem>>
      %dma_wait3A_37 = tpu.memref_slice %arg3[%add3A_12] : memref<56000xf32, #tpu.memory_space<hbm>> -> memref<432xf32, #tpu.memory_space<hbm>>
      %dma_wait3A_38 = arith.constant 448 : i32
      %dma_wait3A_39 = tpu.memref_slice %arg7[%dma_wait3A_38] : memref<1792xf32, #tpu.memory_space<vmem>> -> memref<432xf32, #tpu.memory_space<vmem>>
      %dma_wait3A_40 = tpu.memref_slice %arg3[%add3A_12] : memref<56000xf32, #tpu.memory_space<hbm>> -> memref<432xf32, #tpu.memory_space<hbm>>
      tpu.wait_dma2 semaphore(%run_scoped3A : memref<!tpu.dma_semaphore, #tpu.memory_space<semaphore_mem>>) src(%dma_wait3A_40 : memref<432xf32, #tpu.memory_space<hbm>>) dst(%dma_wait3A_39 : memref<432xf32, #tpu.memory_space<vmem>>)
      tpu.yield
    }) : () -> ()
    %add3A_13 = arith.constant 28000 : i32
    %add3A_14 = arith.addi %add3A_13, %add3A_7 : i32
    "tpu.region"() ({
      %run_scoped3A = tpu.sem_alloc : memref<!tpu.dma_semaphore, #tpu.memory_space<semaphore_mem>>
      %dma_start3A = arith.constant 896 : i32
      %dma_start3A_31 = tpu.memref_slice %arg7[%dma_start3A] : memref<1792xf32, #tpu.memory_space<vmem>> -> memref<432xf32, #tpu.memory_space<vmem>>
      %dma_start3A_32 = tpu.memref_slice %arg3[%add3A_14] : memref<56000xf32, #tpu.memory_space<hbm>> -> memref<432xf32, #tpu.memory_space<hbm>>
      %dma_start3A_33 = arith.constant 896 : i32
      %dma_start3A_34 = tpu.memref_slice %arg7[%dma_start3A_33] : memref<1792xf32, #tpu.memory_space<vmem>> -> memref<432xf32, #tpu.memory_space<vmem>>
      %dma_start3A_35 = tpu.memref_slice %arg3[%add3A_14] : memref<56000xf32, #tpu.memory_space<hbm>> -> memref<432xf32, #tpu.memory_space<hbm>>
      tpu.enqueue_dma source(%dma_start3A_35 : memref<432xf32, #tpu.memory_space<hbm>>) target(%dma_start3A_34 : memref<432xf32, #tpu.memory_space<vmem>>) target_semaphore(%run_scoped3A : memref<!tpu.dma_semaphore, #tpu.memory_space<semaphore_mem>>)
      %dma_wait3A = arith.constant 896 : i32
      %dma_wait3A_36 = tpu.memref_slice %arg7[%dma_wait3A] : memref<1792xf32, #tpu.memory_space<vmem>> -> memref<432xf32, #tpu.memory_space<vmem>>
      %dma_wait3A_37 = tpu.memref_slice %arg3[%add3A_14] : memref<56000xf32, #tpu.memory_space<hbm>> -> memref<432xf32, #tpu.memory_space<hbm>>
      %dma_wait3A_38 = arith.constant 896 : i32
      %dma_wait3A_39 = tpu.memref_slice %arg7[%dma_wait3A_38] : memref<1792xf32, #tpu.memory_space<vmem>> -> memref<432xf32, #tpu.memory_space<vmem>>
      %dma_wait3A_40 = tpu.memref_slice %arg3[%add3A_14] : memref<56000xf32, #tpu.memory_space<hbm>> -> memref<432xf32, #tpu.memory_space<hbm>>
      tpu.wait_dma2 semaphore(%run_scoped3A : memref<!tpu.dma_semaphore, #tpu.memory_space<semaphore_mem>>) src(%dma_wait3A_40 : memref<432xf32, #tpu.memory_space<hbm>>) dst(%dma_wait3A_39 : memref<432xf32, #tpu.memory_space<vmem>>)
      tpu.yield
    }) : () -> ()
    %add3A_15 = arith.constant 42000 : i32
    %add3A_16 = arith.addi %add3A_15, %add3A_7 : i32
    "tpu.region"() ({
      %run_scoped3A = tpu.sem_alloc : memref<!tpu.dma_semaphore, #tpu.memory_space<semaphore_mem>>
      %dma_start3A = arith.constant 1344 : i32
      %dma_start3A_31 = tpu.memref_slice %arg7[%dma_start3A] : memref<1792xf32, #tpu.memory_space<vmem>> -> memref<432xf32, #tpu.memory_space<vmem>>
      %dma_start3A_32 = tpu.memref_slice %arg3[%add3A_16] : memref<56000xf32, #tpu.memory_space<hbm>> -> memref<432xf32, #tpu.memory_space<hbm>>
      %dma_start3A_33 = arith.constant 1344 : i32
      %dma_start3A_34 = tpu.memref_slice %arg7[%dma_start3A_33] : memref<1792xf32, #tpu.memory_space<vmem>> -> memref<432xf32, #tpu.memory_space<vmem>>
      %dma_start3A_35 = tpu.memref_slice %arg3[%add3A_16] : memref<56000xf32, #tpu.memory_space<hbm>> -> memref<432xf32, #tpu.memory_space<hbm>>
      tpu.enqueue_dma source(%dma_start3A_35 : memref<432xf32, #tpu.memory_space<hbm>>) target(%dma_start3A_34 : memref<432xf32, #tpu.memory_space<vmem>>) target_semaphore(%run_scoped3A : memref<!tpu.dma_semaphore, #tpu.memory_space<semaphore_mem>>)
      %dma_wait3A = arith.constant 1344 : i32
      %dma_wait3A_36 = tpu.memref_slice %arg7[%dma_wait3A] : memref<1792xf32, #tpu.memory_space<vmem>> -> memref<432xf32, #tpu.memory_space<vmem>>
      %dma_wait3A_37 = tpu.memref_slice %arg3[%add3A_16] : memref<56000xf32, #tpu.memory_space<hbm>> -> memref<432xf32, #tpu.memory_space<hbm>>
      %dma_wait3A_38 = arith.constant 1344 : i32
      %dma_wait3A_39 = tpu.memref_slice %arg7[%dma_wait3A_38] : memref<1792xf32, #tpu.memory_space<vmem>> -> memref<432xf32, #tpu.memory_space<vmem>>
      %dma_wait3A_40 = tpu.memref_slice %arg3[%add3A_16] : memref<56000xf32, #tpu.memory_space<hbm>> -> memref<432xf32, #tpu.memory_space<hbm>>
      tpu.wait_dma2 semaphore(%run_scoped3A : memref<!tpu.dma_semaphore, #tpu.memory_space<semaphore_mem>>) src(%dma_wait3A_40 : memref<432xf32, #tpu.memory_space<hbm>>) dst(%dma_wait3A_39 : memref<432xf32, #tpu.memory_space<vmem>>)
      tpu.yield
    }) : () -> ()
    %convert_element_type3A = arith.extui %lt3A_1 : i1 to i32
    %cond3A = arith.constant 0 : i32
    %cond3A_17 = arith.cmpi ne, %convert_element_type3A, %cond3A : i32
    scf.if %cond3A_17 {
      %add3A_31 = arith.constant 0 : i32
      %add3A_32 = arith.addi %add3A_31, %add3A_7 : i32
      %add3A_33 = arith.constant 432 : i32
      %add3A_34 = arith.addi %add3A_32, %add3A_33 : i32
      "tpu.region"() ({
        %run_scoped3A = tpu.sem_alloc : memref<!tpu.dma_semaphore, #tpu.memory_space<semaphore_mem>>
        %dma_start3A = arith.constant 432 : i32
        %dma_start3A_47 = tpu.memref_slice %arg7[%dma_start3A] : memref<1792xf32, #tpu.memory_space<vmem>> -> memref<16xf32, #tpu.memory_space<vmem>>
        %dma_start3A_48 = tpu.memref_slice %arg3[%add3A_34] : memref<56000xf32, #tpu.memory_space<hbm>> -> memref<16xf32, #tpu.memory_space<hbm>>
        %dma_start3A_49 = arith.constant 432 : i32
        %dma_start3A_50 = tpu.memref_slice %arg7[%dma_start3A_49] : memref<1792xf32, #tpu.memory_space<vmem>> -> memref<16xf32, #tpu.memory_space<vmem>>
        %dma_start3A_51 = tpu.memref_slice %arg3[%add3A_34] : memref<56000xf32, #tpu.memory_space<hbm>> -> memref<16xf32, #tpu.memory_space<hbm>>
        tpu.enqueue_dma source(%dma_start3A_51 : memref<16xf32, #tpu.memory_space<hbm>>) target(%dma_start3A_50 : memref<16xf32, #tpu.memory_space<vmem>>) target_semaphore(%run_scoped3A : memref<!tpu.dma_semaphore, #tpu.memory_space<semaphore_mem>>)
        %dma_wait3A = arith.constant 432 : i32
        %dma_wait3A_52 = tpu.memref_slice %arg7[%dma_wait3A] : memref<1792xf32, #tpu.memory_space<vmem>> -> memref<16xf32, #tpu.memory_space<vmem>>
        %dma_wait3A_53 = tpu.memref_slice %arg3[%add3A_34] : memref<56000xf32, #tpu.memory_space<hbm>> -> memref<16xf32, #tpu.memory_space<hbm>>
        %dma_wait3A_54 = arith.constant 432 : i32
        %dma_wait3A_55 = tpu.memref_slice %arg7[%dma_wait3A_54] : memref<1792xf32, #tpu.memory_space<vmem>> -> memref<16xf32, #tpu.memory_space<vmem>>
        %dma_wait3A_56 = tpu.memref_slice %arg3[%add3A_34] : memref<56000xf32, #tpu.memory_space<hbm>> -> memref<16xf32, #tpu.memory_space<hbm>>
        tpu.wait_dma2 semaphore(%run_scoped3A : memref<!tpu.dma_semaphore, #tpu.memory_space<semaphore_mem>>) src(%dma_wait3A_56 : memref<16xf32, #tpu.memory_space<hbm>>) dst(%dma_wait3A_55 : memref<16xf32, #tpu.memory_space<vmem>>)
        tpu.yield
      }) : () -> ()
      %add3A_35 = arith.constant 14000 : i32
      %add3A_36 = arith.addi %add3A_35, %add3A_7 : i32
      %add3A_37 = arith.constant 432 : i32
      %add3A_38 = arith.addi %add3A_36, %add3A_37 : i32
      "tpu.region"() ({
        %run_scoped3A = tpu.sem_alloc : memref<!tpu.dma_semaphore, #tpu.memory_space<semaphore_mem>>
        %dma_start3A = arith.constant 880 : i32
        %dma_start3A_47 = tpu.memref_slice %arg7[%dma_start3A] : memref<1792xf32, #tpu.memory_space<vmem>> -> memref<16xf32, #tpu.memory_space<vmem>>
        %dma_start3A_48 = tpu.memref_slice %arg3[%add3A_38] : memref<56000xf32, #tpu.memory_space<hbm>> -> memref<16xf32, #tpu.memory_space<hbm>>
        %dma_start3A_49 = arith.constant 880 : i32
        %dma_start3A_50 = tpu.memref_slice %arg7[%dma_start3A_49] : memref<1792xf32, #tpu.memory_space<vmem>> -> memref<16xf32, #tpu.memory_space<vmem>>
        %dma_start3A_51 = tpu.memref_slice %arg3[%add3A_38] : memref<56000xf32, #tpu.memory_space<hbm>> -> memref<16xf32, #tpu.memory_space<hbm>>
        tpu.enqueue_dma source(%dma_start3A_51 : memref<16xf32, #tpu.memory_space<hbm>>) target(%dma_start3A_50 : memref<16xf32, #tpu.memory_space<vmem>>) target_semaphore(%run_scoped3A : memref<!tpu.dma_semaphore, #tpu.memory_space<semaphore_mem>>)
        %dma_wait3A = arith.constant 880 : i32
        %dma_wait3A_52 = tpu.memref_slice %arg7[%dma_wait3A] : memref<1792xf32, #tpu.memory_space<vmem>> -> memref<16xf32, #tpu.memory_space<vmem>>
        %dma_wait3A_53 = tpu.memref_slice %arg3[%add3A_38] : memref<56000xf32, #tpu.memory_space<hbm>> -> memref<16xf32, #tpu.memory_space<hbm>>
        %dma_wait3A_54 = arith.constant 880 : i32
        %dma_wait3A_55 = tpu.memref_slice %arg7[%dma_wait3A_54] : memref<1792xf32, #tpu.memory_space<vmem>> -> memref<16xf32, #tpu.memory_space<vmem>>
        %dma_wait3A_56 = tpu.memref_slice %arg3[%add3A_38] : memref<56000xf32, #tpu.memory_space<hbm>> -> memref<16xf32, #tpu.memory_space<hbm>>
        tpu.wait_dma2 semaphore(%run_scoped3A : memref<!tpu.dma_semaphore, #tpu.memory_space<semaphore_mem>>) src(%dma_wait3A_56 : memref<16xf32, #tpu.memory_space<hbm>>) dst(%dma_wait3A_55 : memref<16xf32, #tpu.memory_space<vmem>>)
        tpu.yield
      }) : () -> ()
      %add3A_39 = arith.constant 28000 : i32
      %add3A_40 = arith.addi %add3A_39, %add3A_7 : i32
      %add3A_41 = arith.constant 432 : i32
      %add3A_42 = arith.addi %add3A_40, %add3A_41 : i32
      "tpu.region"() ({
        %run_scoped3A = tpu.sem_alloc : memref<!tpu.dma_semaphore, #tpu.memory_space<semaphore_mem>>
        %dma_start3A = arith.constant 1328 : i32
        %dma_start3A_47 = tpu.memref_slice %arg7[%dma_start3A] : memref<1792xf32, #tpu.memory_space<vmem>> -> memref<16xf32, #tpu.memory_space<vmem>>
        %dma_start3A_48 = tpu.memref_slice %arg3[%add3A_42] : memref<56000xf32, #tpu.memory_space<hbm>> -> memref<16xf32, #tpu.memory_space<hbm>>
        %dma_start3A_49 = arith.constant 1328 : i32
        %dma_start3A_50 = tpu.memref_slice %arg7[%dma_start3A_49] : memref<1792xf32, #tpu.memory_space<vmem>> -> memref<16xf32, #tpu.memory_space<vmem>>
        %dma_start3A_51 = tpu.memref_slice %arg3[%add3A_42] : memref<56000xf32, #tpu.memory_space<hbm>> -> memref<16xf32, #tpu.memory_space<hbm>>
        tpu.enqueue_dma source(%dma_start3A_51 : memref<16xf32, #tpu.memory_space<hbm>>) target(%dma_start3A_50 : memref<16xf32, #tpu.memory_space<vmem>>) target_semaphore(%run_scoped3A : memref<!tpu.dma_semaphore, #tpu.memory_space<semaphore_mem>>)
        %dma_wait3A = arith.constant 1328 : i32
        %dma_wait3A_52 = tpu.memref_slice %arg7[%dma_wait3A] : memref<1792xf32, #tpu.memory_space<vmem>> -> memref<16xf32, #tpu.memory_space<vmem>>
        %dma_wait3A_53 = tpu.memref_slice %arg3[%add3A_42] : memref<56000xf32, #tpu.memory_space<hbm>> -> memref<16xf32, #tpu.memory_space<hbm>>
        %dma_wait3A_54 = arith.constant 1328 : i32
        %dma_wait3A_55 = tpu.memref_slice %arg7[%dma_wait3A_54] : memref<1792xf32, #tpu.memory_space<vmem>> -> memref<16xf32, #tpu.memory_space<vmem>>
        %dma_wait3A_56 = tpu.memref_slice %arg3[%add3A_42] : memref<56000xf32, #tpu.memory_space<hbm>> -> memref<16xf32, #tpu.memory_space<hbm>>
        tpu.wait_dma2 semaphore(%run_scoped3A : memref<!tpu.dma_semaphore, #tpu.memory_space<semaphore_mem>>) src(%dma_wait3A_56 : memref<16xf32, #tpu.memory_space<hbm>>) dst(%dma_wait3A_55 : memref<16xf32, #tpu.memory_space<vmem>>)
        tpu.yield
      }) : () -> ()
      %add3A_43 = arith.constant 42000 : i32
      %add3A_44 = arith.addi %add3A_43, %add3A_7 : i32
      %add3A_45 = arith.constant 432 : i32
      %add3A_46 = arith.addi %add3A_44, %add3A_45 : i32
      "tpu.region"() ({
        %run_scoped3A = tpu.sem_alloc : memref<!tpu.dma_semaphore, #tpu.memory_space<semaphore_mem>>
        %dma_start3A = arith.constant 1776 : i32
        %dma_start3A_47 = tpu.memref_slice %arg7[%dma_start3A] : memref<1792xf32, #tpu.memory_space<vmem>> -> memref<16xf32, #tpu.memory_space<vmem>>
        %dma_start3A_48 = tpu.memref_slice %arg3[%add3A_46] : memref<56000xf32, #tpu.memory_space<hbm>> -> memref<16xf32, #tpu.memory_space<hbm>>
        %dma_start3A_49 = arith.constant 1776 : i32
        %dma_start3A_50 = tpu.memref_slice %arg7[%dma_start3A_49] : memref<1792xf32, #tpu.memory_space<vmem>> -> memref<16xf32, #tpu.memory_space<vmem>>
        %dma_start3A_51 = tpu.memref_slice %arg3[%add3A_46] : memref<56000xf32, #tpu.memory_space<hbm>> -> memref<16xf32, #tpu.memory_space<hbm>>
        tpu.enqueue_dma source(%dma_start3A_51 : memref<16xf32, #tpu.memory_space<hbm>>) target(%dma_start3A_50 : memref<16xf32, #tpu.memory_space<vmem>>) target_semaphore(%run_scoped3A : memref<!tpu.dma_semaphore, #tpu.memory_space<semaphore_mem>>)
        %dma_wait3A = arith.constant 1776 : i32
        %dma_wait3A_52 = tpu.memref_slice %arg7[%dma_wait3A] : memref<1792xf32, #tpu.memory_space<vmem>> -> memref<16xf32, #tpu.memory_space<vmem>>
        %dma_wait3A_53 = tpu.memref_slice %arg3[%add3A_46] : memref<56000xf32, #tpu.memory_space<hbm>> -> memref<16xf32, #tpu.memory_space<hbm>>
        %dma_wait3A_54 = arith.constant 1776 : i32
        %dma_wait3A_55 = tpu.memref_slice %arg7[%dma_wait3A_54] : memref<1792xf32, #tpu.memory_space<vmem>> -> memref<16xf32, #tpu.memory_space<vmem>>
        %dma_wait3A_56 = tpu.memref_slice %arg3[%add3A_46] : memref<56000xf32, #tpu.memory_space<hbm>> -> memref<16xf32, #tpu.memory_space<hbm>>
        tpu.wait_dma2 semaphore(%run_scoped3A : memref<!tpu.dma_semaphore, #tpu.memory_space<semaphore_mem>>) src(%dma_wait3A_56 : memref<16xf32, #tpu.memory_space<hbm>>) dst(%dma_wait3A_55 : memref<16xf32, #tpu.memory_space<vmem>>)
        tpu.yield
      }) : () -> ()
    } else {
    }
    %while3A = arith.constant 0 : i32
    %while3A_18 = arith.constant 16384 : i32
    %while3A_19 = arith.constant 0 : i32
    %while3A_20 = arith.subi %select_n3A, %while3A_19 : i32
    %while3A_21 = arith.addi %while3A_19, %while3A_20 : i32
    %while3A_22 = arith.constant 1 : i32
    %while3A_23 = arith.divsi %while3A_20, %while3A_22 : i32
    %while3A_24 = arith.muli %while3A_23, %while3A_22 : i32
    %while3A_25 = arith.addi %while3A_19, %while3A_24 : i32
    %while3A_26 = arith.constant 1 : i32
    scf.for %while3A_31 = %while3A_19 to %while3A_25 step %while3A_26  : i32 {
      %mul3A_32 = arith.constant 16 : i32
      %mul3A_33 = arith.muli %while3A_31, %mul3A_32 : i32
      %iota3A = tpu.iota {dimensions = array<i32: 0>} : vector<16xi32>
      %get3A = arith.index_cast %mul3A_33 : i32 to index
      %get3A_34 = tpu.vector_load %arg7[%get3A] {strides = array<i32>} : memref<1792xf32, #tpu.memory_space<vmem>>, vector<16xf32>,
      %convert_element_type3A_35 = arith.fptosi %get3A_34 : vector<16xf32> to vector<16xi32>
      %add3A_36 = arith.constant 448 : i32
      %add3A_37 = arith.addi %add3A_36, %mul3A_33 : i32
      %get3A_38 = arith.index_cast %add3A_37 : i32 to index
      %get3A_39 = tpu.vector_load %arg7[%get3A_38] {strides = array<i32>} : memref<1792xf32, #tpu.memory_space<vmem>>, vector<16xf32>,
      %add3A_40 = arith.constant 896 : i32
      %add3A_41 = arith.addi %add3A_40, %mul3A_33 : i32
      %get3A_42 = arith.index_cast %add3A_41 : i32 to index
      %get3A_43 = tpu.vector_load %arg7[%get3A_42] {strides = array<i32>} : memref<1792xf32, #tpu.memory_space<vmem>>, vector<16xf32>,
      %add3A_44 = arith.constant 1344 : i32
      %add3A_45 = arith.addi %add3A_44, %mul3A_33 : i32
      %get3A_46 = arith.index_cast %add3A_45 : i32 to index
      %get3A_47 = tpu.vector_load %arg7[%get3A_46] {strides = array<i32>} : memref<1792xf32, #tpu.memory_space<vmem>>, vector<16xf32>,
      %broadcast_in_dim3A = vector.broadcast %while3A_18 : i32 to vector<16xi32>
      %broadcast_in_dim3A_48 = arith.constant 0 : i32
      %broadcast_in_dim3A_49 = vector.broadcast %broadcast_in_dim3A_48 : i32 to vector<16xi32>
      %slice3A = vector.extract_strided_slice %convert_element_type3A_35 {offsets = [0], sizes = [1], strides = [1]} : vector<16xi32> to vector<1xi32>
      %squeeze3A = vector.extract %slice3A[0] : i32 from vector<1xi32>
      %slice3A_50 = vector.extract_strided_slice %convert_element_type3A_35 {offsets = [15], sizes = [1], strides = [1]} : vector<16xi32> to vector<1xi32>
      %squeeze3A_51 = vector.extract %slice3A_50[0] : i32 from vector<1xi32>
      %mul3A_52 = arith.constant 4 : i32
      %mul3A_53 = arith.muli %squeeze3A, %mul3A_52 : i32
      %add3A_54 = arith.constant 1 : i32
      %add3A_55 = arith.addi %squeeze3A_51, %add3A_54 : i32
      %mul3A_56 = arith.constant 4 : i32
      %mul3A_57 = arith.muli %add3A_55, %mul3A_56 : i32
      %while3A_58 = arith.subi %mul3A_57, %mul3A_53 : i32
      %while3A_59 = arith.addi %mul3A_53, %while3A_58 : i32
      %while3A_60 = arith.constant 1 : i32
      %while3A_61 = arith.divsi %while3A_58, %while3A_60 : i32
      %while3A_62 = arith.muli %while3A_61, %while3A_60 : i32
      %while3A_63 = arith.addi %mul3A_53, %while3A_62 : i32
      %while3A_64 = arith.constant 1 : i32
      %while3A_65:2 = scf.for %while3A_165 = %mul3A_53 to %while3A_63 step %while3A_64 iter_args(%while3A_166 = %broadcast_in_dim3A, %while3A_167 = %broadcast_in_dim3A_49) -> (vector<16xi32>, vector<16xi32>)  : i32 {
        %mul3A_168 = arith.constant 16 : i32
        %mul3A_169 = arith.muli %while3A_165, %mul3A_168 : i32
        %jit3A_170 = arith.constant 4 : i32
        %div3A = arith.divsi %while3A_165, %jit3A_170 : i32
        %sign3A = arith.constant 0 : i32
        %sign3A_171 = arith.cmpi sgt, %while3A_165, %sign3A : i32
        %sign3A_172 = arith.extui %sign3A_171 : i1 to i32
        %sign3A_173 = arith.constant 0 : i32
        %sign3A_174 = arith.cmpi slt, %while3A_165, %sign3A_173 : i32
        %sign3A_175 = arith.extui %sign3A_174 : i1 to i32
        %sign3A_176 = arith.subi %sign3A_172, %sign3A_175 : i32
        %sign3A_177 = arith.constant 0 : i32
        %sign3A_178 = arith.cmpi sgt, %jit3A_170, %sign3A_177 : i32
        %sign3A_179 = arith.extui %sign3A_178 : i1 to i32
        %sign3A_180 = arith.constant 0 : i32
        %sign3A_181 = arith.cmpi slt, %jit3A_170, %sign3A_180 : i32
        %sign3A_182 = arith.extui %sign3A_181 : i1 to i32
        %sign3A_183 = arith.subi %sign3A_179, %sign3A_182 : i32
        %ne3A_184 = arith.cmpi ne, %sign3A_176, %sign3A_183 : i32
        %rem3A = arith.remsi %while3A_165, %jit3A_170 : i32
        %ne3A_185 = arith.constant 0 : i32
        %ne3A_186 = arith.cmpi ne, %rem3A, %ne3A_185 : i32
        %and3A = arith.andi %ne3A_184, %ne3A_186 : i1
        %sub3A_187 = arith.constant 1 : i32
        %sub3A_188 = arith.subi %div3A, %sub3A_187 : i32
        %select_n3A_189 = arith.select %and3A, %sub3A_188, %div3A : i32
        %eq3A = vector.broadcast %select_n3A_189 : i32 to vector<16xi32>
        %eq3A_190 = arith.cmpi eq, %convert_element_type3A_35, %eq3A : vector<16xi32>
        %get3A_191 = arith.constant 0 : i32
        %get3A_192 = arith.index_cast %get3A_191 : i32 to index
        %get3A_193 = arith.index_cast %mul3A_169 : i32 to index
        %get3A_194 = tpu.vector_load %arg6[%get3A_192, %get3A_193] {strides = array<i32>} : memref<16x256xf32, #tpu.memory_space<vmem>>, vector<16xf32>,
        %get3A_195 = arith.constant 1 : i32
        %get3A_196 = arith.index_cast %get3A_195 : i32 to index
        %get3A_197 = arith.index_cast %mul3A_169 : i32 to index
        %get3A_198 = tpu.vector_load %arg6[%get3A_196, %get3A_197] {strides = array<i32>} : memref<16x256xf32, #tpu.memory_space<vmem>>, vector<16xf32>,
        %get3A_199 = arith.constant 2 : i32
        %get3A_200 = arith.index_cast %get3A_199 : i32 to index
        %get3A_201 = arith.index_cast %mul3A_169 : i32 to index
        %get3A_202 = tpu.vector_load %arg6[%get3A_200, %get3A_201] {strides = array<i32>} : memref<16x256xf32, #tpu.memory_space<vmem>>, vector<16xf32>,
        %get3A_203 = arith.constant 3 : i32
        %get3A_204 = arith.index_cast %get3A_203 : i32 to index
        %get3A_205 = arith.index_cast %mul3A_169 : i32 to index
        %get3A_206 = tpu.vector_load %arg6[%get3A_204, %get3A_205] {strides = array<i32>} : memref<16x256xf32, #tpu.memory_space<vmem>>, vector<16xf32>,
        %get3A_207 = arith.constant 4 : i32
        %get3A_208 = arith.index_cast %get3A_207 : i32 to index
        %get3A_209 = arith.index_cast %mul3A_169 : i32 to index
        %get3A_210 = tpu.vector_load %arg6[%get3A_208, %get3A_209] {strides = array<i32>} : memref<16x256xf32, #tpu.memory_space<vmem>>, vector<16xf32>,
        %get3A_211 = arith.constant 5 : i32
        %get3A_212 = arith.index_cast %get3A_211 : i32 to index
        %get3A_213 = arith.index_cast %mul3A_169 : i32 to index
        %get3A_214 = tpu.vector_load %arg6[%get3A_212, %get3A_213] {strides = array<i32>} : memref<16x256xf32, #tpu.memory_space<vmem>>, vector<16xf32>,
        %get3A_215 = arith.constant 6 : i32
        %get3A_216 = arith.index_cast %get3A_215 : i32 to index
        %get3A_217 = arith.index_cast %mul3A_169 : i32 to index
        %get3A_218 = tpu.vector_load %arg6[%get3A_216, %get3A_217] {strides = array<i32>} : memref<16x256xf32, #tpu.memory_space<vmem>>, vector<16xf32>,
        %get3A_219 = arith.constant 7 : i32
        %get3A_220 = arith.index_cast %get3A_219 : i32 to index
        %get3A_221 = arith.index_cast %mul3A_169 : i32 to index
        %get3A_222 = tpu.vector_load %arg6[%get3A_220, %get3A_221] {strides = array<i32>} : memref<16x256xf32, #tpu.memory_space<vmem>>, vector<16xf32>,
        %get3A_223 = arith.constant 8 : i32
        %get3A_224 = arith.index_cast %get3A_223 : i32 to index
        %get3A_225 = arith.index_cast %mul3A_169 : i32 to index
        %get3A_226 = tpu.vector_load %arg6[%get3A_224, %get3A_225] {strides = array<i32>} : memref<16x256xf32, #tpu.memory_space<vmem>>, vector<16xf32>,
        %get3A_227 = arith.constant 9 : i32
        %get3A_228 = arith.index_cast %get3A_227 : i32 to index
        %get3A_229 = arith.index_cast %mul3A_169 : i32 to index
        %get3A_230 = tpu.vector_load %arg6[%get3A_228, %get3A_229] {strides = array<i32>} : memref<16x256xf32, #tpu.memory_space<vmem>>, vector<16xf32>,
        %get3A_231 = arith.constant 10 : i32
        %get3A_232 = arith.index_cast %get3A_231 : i32 to index
        %get3A_233 = arith.index_cast %mul3A_169 : i32 to index
        %get3A_234 = tpu.vector_load %arg6[%get3A_232, %get3A_233] {strides = array<i32>} : memref<16x256xf32, #tpu.memory_space<vmem>>, vector<16xf32>,
        %scan3A = arith.constant 0 : i32
        %scan3A_235 = arith.constant 16 : i32
        %scan3A_236 = arith.addi %scan3A, %scan3A_235 : i32
        %scan3A_237 = arith.constant 1 : i32
        %scan3A_238:2 = scf.for %scan3A_240 = %scan3A to %scan3A_236 step %scan3A_237 iter_args(%scan3A_241 = %while3A_166, %scan3A_242 = %while3A_167) -> (vector<16xi32>, vector<16xi32>)  : i32 {
          %broadcast_in_dim3A_243 = vector.broadcast %scan3A_240 : i32 to vector<16xi32>
          %reshape3A = vector.shape_cast %broadcast_in_dim3A_243 : vector<16xi32> to vector<16x1xi32>
          %gather3A_244 = vector.shape_cast %reshape3A : vector<16x1xi32> to vector<16xi32>
          %gather3A_245 = tpu.dynamic_gather %get3A_194[%gather3A_244] in [0] : vector<16xf32>, vector<16xi32> -> vector<16xf32>
          %sub3A_246 = arith.subf %get3A_39, %gather3A_245 : vector<16xf32>
          %broadcast_in_dim3A_247 = vector.broadcast %scan3A_240 : i32 to vector<16xi32>
          %reshape3A_248 = vector.shape_cast %broadcast_in_dim3A_247 : vector<16xi32> to vector<16x1xi32>
          %gather3A_249 = vector.shape_cast %reshape3A_248 : vector<16x1xi32> to vector<16xi32>
          %gather3A_250 = tpu.dynamic_gather %get3A_198[%gather3A_249] in [0] : vector<16xf32>, vector<16xi32> -> vector<16xf32>
          %sub3A_251 = arith.subf %get3A_43, %gather3A_250 : vector<16xf32>
          %broadcast_in_dim3A_252 = vector.broadcast %scan3A_240 : i32 to vector<16xi32>
          %reshape3A_253 = vector.shape_cast %broadcast_in_dim3A_252 : vector<16xi32> to vector<16x1xi32>
          %gather3A_254 = vector.shape_cast %reshape3A_253 : vector<16x1xi32> to vector<16xi32>
          %gather3A_255 = tpu.dynamic_gather %get3A_202[%gather3A_254] in [0] : vector<16xf32>, vector<16xi32> -> vector<16xf32>
          %sub3A_256 = arith.subf %get3A_47, %gather3A_255 : vector<16xf32>
          %broadcast_in_dim3A_257 = vector.broadcast %scan3A_240 : i32 to vector<16xi32>
          %reshape3A_258 = vector.shape_cast %broadcast_in_dim3A_257 : vector<16xi32> to vector<16x1xi32>
          %gather3A_259 = vector.shape_cast %reshape3A_258 : vector<16x1xi32> to vector<16xi32>
          %gather3A_260 = tpu.dynamic_gather %get3A_206[%gather3A_259] in [0] : vector<16xf32>, vector<16xi32> -> vector<16xf32>
          %broadcast_in_dim3A_261 = vector.broadcast %scan3A_240 : i32 to vector<16xi32>
          %reshape3A_262 = vector.shape_cast %broadcast_in_dim3A_261 : vector<16xi32> to vector<16x1xi32>
          %gather3A_263 = vector.shape_cast %reshape3A_262 : vector<16x1xi32> to vector<16xi32>
          %gather3A_264 = tpu.dynamic_gather %get3A_210[%gather3A_263] in [0] : vector<16xf32>, vector<16xi32> -> vector<16xf32>
          %mul3A_265 = arith.mulf %sub3A_246, %gather3A_260 : vector<16xf32>
          %mul3A_266 = arith.mulf %sub3A_251, %gather3A_264 : vector<16xf32>
          %add3A_267 = arith.addf %mul3A_265, %mul3A_266 : vector<16xf32>
          %neg3A = arith.constant 0.000000e+00 : f32
          %neg3A_268 = vector.broadcast %neg3A : f32 to vector<16xf32>
          %neg3A_269 = arith.subf %neg3A_268, %sub3A_246 : vector<16xf32>
          %mul3A_270 = arith.mulf %neg3A_269, %gather3A_264 : vector<16xf32>
          %mul3A_271 = arith.mulf %sub3A_251, %gather3A_260 : vector<16xf32>
          %add3A_272 = arith.addf %mul3A_270, %mul3A_271 : vector<16xf32>
          %abs3A = math.absf %add3A_267 : vector<16xf32>
          %abs3A_273 = math.absf %add3A_272 : vector<16xf32>
          %abs3A_274 = math.absf %sub3A_256 : vector<16xf32>
          %broadcast_in_dim3A_275 = vector.broadcast %scan3A_240 : i32 to vector<16xi32>
          %reshape3A_276 = vector.shape_cast %broadcast_in_dim3A_275 : vector<16xi32> to vector<16x1xi32>
          %gather3A_277 = vector.shape_cast %reshape3A_276 : vector<16x1xi32> to vector<16xi32>
          %gather3A_278 = tpu.dynamic_gather %get3A_214[%gather3A_277] in [0] : vector<16xf32>, vector<16xi32> -> vector<16xf32>
          %le3A = arith.cmpf ole, %abs3A, %gather3A_278 : vector<16xf32>
          %broadcast_in_dim3A_279 = vector.broadcast %scan3A_240 : i32 to vector<16xi32>
          %reshape3A_280 = vector.shape_cast %broadcast_in_dim3A_279 : vector<16xi32> to vector<16x1xi32>
          %gather3A_281 = vector.shape_cast %reshape3A_280 : vector<16x1xi32> to vector<16xi32>
          %gather3A_282 = tpu.dynamic_gather %get3A_218[%gather3A_281] in [0] : vector<16xf32>, vector<16xi32> -> vector<16xf32>
          %le3A_283 = arith.cmpf ole, %abs3A_273, %gather3A_282 : vector<16xf32>
          %and3A_284 = arith.andi %le3A, %le3A_283 : vector<16xi1>
          %broadcast_in_dim3A_285 = vector.broadcast %scan3A_240 : i32 to vector<16xi32>
          %reshape3A_286 = vector.shape_cast %broadcast_in_dim3A_285 : vector<16xi32> to vector<16x1xi32>
          %gather3A_287 = vector.shape_cast %reshape3A_286 : vector<16x1xi32> to vector<16xi32>
          %gather3A_288 = tpu.dynamic_gather %get3A_222[%gather3A_287] in [0] : vector<16xf32>, vector<16xi32> -> vector<16xf32>
          %le3A_289 = arith.cmpf ole, %abs3A_274, %gather3A_288 : vector<16xf32>
          %and3A_290 = arith.andi %and3A_284, %le3A_289 : vector<16xi1>
          %and3A_291 = arith.andi %and3A_290, %eq3A_190 : vector<16xi1>
          %broadcast_in_dim3A_292 = vector.broadcast %scan3A_240 : i32 to vector<16xi32>
          %reshape3A_293 = vector.shape_cast %broadcast_in_dim3A_292 : vector<16xi32> to vector<16x1xi32>
          %gather3A_294 = vector.shape_cast %reshape3A_293 : vector<16x1xi32> to vector<16xi32>
          %gather3A_295 = tpu.dynamic_gather %get3A_226[%gather3A_294] in [0] : vector<16xf32>, vector<16xi32> -> vector<16xf32>
          %le3A_296 = arith.cmpf ole, %abs3A, %gather3A_295 : vector<16xf32>
          %broadcast_in_dim3A_297 = vector.broadcast %scan3A_240 : i32 to vector<16xi32>
          %reshape3A_298 = vector.shape_cast %broadcast_in_dim3A_297 : vector<16xi32> to vector<16x1xi32>
          %gather3A_299 = vector.shape_cast %reshape3A_298 : vector<16x1xi32> to vector<16xi32>
          %gather3A_300 = tpu.dynamic_gather %get3A_230[%gather3A_299] in [0] : vector<16xf32>, vector<16xi32> -> vector<16xf32>
          %le3A_301 = arith.cmpf ole, %abs3A_273, %gather3A_300 : vector<16xf32>
          %and3A_302 = arith.andi %le3A_296, %le3A_301 : vector<16xi1>
          %broadcast_in_dim3A_303 = vector.broadcast %scan3A_240 : i32 to vector<16xi32>
          %reshape3A_304 = vector.shape_cast %broadcast_in_dim3A_303 : vector<16xi32> to vector<16x1xi32>
          %gather3A_305 = vector.shape_cast %reshape3A_304 : vector<16x1xi32> to vector<16xi32>
          %gather3A_306 = tpu.dynamic_gather %get3A_234[%gather3A_305] in [0] : vector<16xf32>, vector<16xi32> -> vector<16xf32>
          %le3A_307 = arith.cmpf ole, %abs3A_274, %gather3A_306 : vector<16xf32>
          %and3A_308 = arith.andi %and3A_302, %le3A_307 : vector<16xi1>
          %and3A_309 = arith.andi %and3A_308, %eq3A_190 : vector<16xi1>
          %add3A_310 = arith.addi %mul3A_169, %scan3A_240 : i32
          %broadcast_in_dim3A_311 = vector.broadcast %add3A_310 : i32 to vector<16xi32>
          %broadcast_in_dim3A_312 = vector.broadcast %while3A_18 : i32 to vector<16xi32>
          %select_n3A_313 = arith.select %and3A_291, %broadcast_in_dim3A_311, %broadcast_in_dim3A_312 : vector<16xi1>, vector<16xi32>
          %min3A_314 = arith.minsi %scan3A_241, %select_n3A_313 : vector<16xi32>
          %jit3A_315 = arith.constant 1 : i32
          %broadcast_in_dim3A_316 = vector.broadcast %jit3A_315 : i32 to vector<16xi32>
          %select_n3A_317 = arith.select %and3A_309, %broadcast_in_dim3A_316, %scan3A_242 : vector<16xi1>, vector<16xi32>
          scf.yield %min3A_314, %select_n3A_317 : vector<16xi32>, vector<16xi32>
        }
        %scan3A_239 = arith.constant 16 : i32
        scf.yield %scan3A_238#0, %scan3A_238#1 : vector<16xi32>, vector<16xi32>
      }
      %while3A_66 = arith.constant 1 : i32
      %while3A_67:2 = scf.for %while3A_165 = %while3A_63 to %while3A_59 step %while3A_66 iter_args(%while3A_166 = %while3A_65#0, %while3A_167 = %while3A_65#1) -> (vector<16xi32>, vector<16xi32>)  : i32 {
        %mul3A_168 = arith.constant 16 : i32
        %mul3A_169 = arith.muli %while3A_165, %mul3A_168 : i32
        %jit3A_170 = arith.constant 4 : i32
        %div3A = arith.divsi %while3A_165, %jit3A_170 : i32
        %sign3A = arith.constant 0 : i32
        %sign3A_171 = arith.cmpi sgt, %while3A_165, %sign3A : i32
        %sign3A_172 = arith.extui %sign3A_171 : i1 to i32
        %sign3A_173 = arith.constant 0 : i32
        %sign3A_174 = arith.cmpi slt, %while3A_165, %sign3A_173 : i32
        %sign3A_175 = arith.extui %sign3A_174 : i1 to i32
        %sign3A_176 = arith.subi %sign3A_172, %sign3A_175 : i32
        %sign3A_177 = arith.constant 0 : i32
        %sign3A_178 = arith.cmpi sgt, %jit3A_170, %sign3A_177 : i32
        %sign3A_179 = arith.extui %sign3A_178 : i1 to i32
        %sign3A_180 = arith.constant 0 : i32
        %sign3A_181 = arith.cmpi slt, %jit3A_170, %sign3A_180 : i32
        %sign3A_182 = arith.extui %sign3A_181 : i1 to i32
        %sign3A_183 = arith.subi %sign3A_179, %sign3A_182 : i32
        %ne3A_184 = arith.cmpi ne, %sign3A_176, %sign3A_183 : i32
        %rem3A = arith.remsi %while3A_165, %jit3A_170 : i32
        %ne3A_185 = arith.constant 0 : i32
        %ne3A_186 = arith.cmpi ne, %rem3A, %ne3A_185 : i32
        %and3A = arith.andi %ne3A_184, %ne3A_186 : i1
        %sub3A_187 = arith.constant 1 : i32
        %sub3A_188 = arith.subi %div3A, %sub3A_187 : i32
        %select_n3A_189 = arith.select %and3A, %sub3A_188, %div3A : i32
        %eq3A = vector.broadcast %select_n3A_189 : i32 to vector<16xi32>
        %eq3A_190 = arith.cmpi eq, %convert_element_type3A_35, %eq3A : vector<16xi32>
        %get3A_191 = arith.constant 0 : i32
        %get3A_192 = arith.index_cast %get3A_191 : i32 to index
        %get3A_193 = arith.index_cast %mul3A_169 : i32 to index
        %get3A_194 = tpu.vector_load %arg6[%get3A_192, %get3A_193] {strides = array<i32>} : memref<16x256xf32, #tpu.memory_space<vmem>>, vector<16xf32>,
        %get3A_195 = arith.constant 1 : i32
        %get3A_196 = arith.index_cast %get3A_195 : i32 to index
        %get3A_197 = arith.index_cast %mul3A_169 : i32 to index
        %get3A_198 = tpu.vector_load %arg6[%get3A_196, %get3A_197] {strides = array<i32>} : memref<16x256xf32, #tpu.memory_space<vmem>>, vector<16xf32>,
        %get3A_199 = arith.constant 2 : i32
        %get3A_200 = arith.index_cast %get3A_199 : i32 to index
        %get3A_201 = arith.index_cast %mul3A_169 : i32 to index
        %get3A_202 = tpu.vector_load %arg6[%get3A_200, %get3A_201] {strides = array<i32>} : memref<16x256xf32, #tpu.memory_space<vmem>>, vector<16xf32>,
        %get3A_203 = arith.constant 3 : i32
        %get3A_204 = arith.index_cast %get3A_203 : i32 to index
        %get3A_205 = arith.index_cast %mul3A_169 : i32 to index
        %get3A_206 = tpu.vector_load %arg6[%get3A_204, %get3A_205] {strides = array<i32>} : memref<16x256xf32, #tpu.memory_space<vmem>>, vector<16xf32>,
        %get3A_207 = arith.constant 4 : i32
        %get3A_208 = arith.index_cast %get3A_207 : i32 to index
        %get3A_209 = arith.index_cast %mul3A_169 : i32 to index
        %get3A_210 = tpu.vector_load %arg6[%get3A_208, %get3A_209] {strides = array<i32>} : memref<16x256xf32, #tpu.memory_space<vmem>>, vector<16xf32>,
        %get3A_211 = arith.constant 5 : i32
        %get3A_212 = arith.index_cast %get3A_211 : i32 to index
        %get3A_213 = arith.index_cast %mul3A_169 : i32 to index
        %get3A_214 = tpu.vector_load %arg6[%get3A_212, %get3A_213] {strides = array<i32>} : memref<16x256xf32, #tpu.memory_space<vmem>>, vector<16xf32>,
        %get3A_215 = arith.constant 6 : i32
        %get3A_216 = arith.index_cast %get3A_215 : i32 to index
        %get3A_217 = arith.index_cast %mul3A_169 : i32 to index
        %get3A_218 = tpu.vector_load %arg6[%get3A_216, %get3A_217] {strides = array<i32>} : memref<16x256xf32, #tpu.memory_space<vmem>>, vector<16xf32>,
        %get3A_219 = arith.constant 7 : i32
        %get3A_220 = arith.index_cast %get3A_219 : i32 to index
        %get3A_221 = arith.index_cast %mul3A_169 : i32 to index
        %get3A_222 = tpu.vector_load %arg6[%get3A_220, %get3A_221] {strides = array<i32>} : memref<16x256xf32, #tpu.memory_space<vmem>>, vector<16xf32>,
        %get3A_223 = arith.constant 8 : i32
        %get3A_224 = arith.index_cast %get3A_223 : i32 to index
        %get3A_225 = arith.index_cast %mul3A_169 : i32 to index
        %get3A_226 = tpu.vector_load %arg6[%get3A_224, %get3A_225] {strides = array<i32>} : memref<16x256xf32, #tpu.memory_space<vmem>>, vector<16xf32>,
        %get3A_227 = arith.constant 9 : i32
        %get3A_228 = arith.index_cast %get3A_227 : i32 to index
        %get3A_229 = arith.index_cast %mul3A_169 : i32 to index
        %get3A_230 = tpu.vector_load %arg6[%get3A_228, %get3A_229] {strides = array<i32>} : memref<16x256xf32, #tpu.memory_space<vmem>>, vector<16xf32>,
        %get3A_231 = arith.constant 10 : i32
        %get3A_232 = arith.index_cast %get3A_231 : i32 to index
        %get3A_233 = arith.index_cast %mul3A_169 : i32 to index
        %get3A_234 = tpu.vector_load %arg6[%get3A_232, %get3A_233] {strides = array<i32>} : memref<16x256xf32, #tpu.memory_space<vmem>>, vector<16xf32>,
        %scan3A = arith.constant 0 : i32
        %scan3A_235 = arith.constant 16 : i32
        %scan3A_236 = arith.addi %scan3A, %scan3A_235 : i32
        %scan3A_237 = arith.constant 1 : i32
        %scan3A_238:2 = scf.for %scan3A_240 = %scan3A to %scan3A_236 step %scan3A_237 iter_args(%scan3A_241 = %while3A_166, %scan3A_242 = %while3A_167) -> (vector<16xi32>, vector<16xi32>)  : i32 {
          %broadcast_in_dim3A_243 = vector.broadcast %scan3A_240 : i32 to vector<16xi32>
          %reshape3A = vector.shape_cast %broadcast_in_dim3A_243 : vector<16xi32> to vector<16x1xi32>
          %gather3A_244 = vector.shape_cast %reshape3A : vector<16x1xi32> to vector<16xi32>
          %gather3A_245 = tpu.dynamic_gather %get3A_194[%gather3A_244] in [0] : vector<16xf32>, vector<16xi32> -> vector<16xf32>
          %sub3A_246 = arith.subf %get3A_39, %gather3A_245 : vector<16xf32>
          %broadcast_in_dim3A_247 = vector.broadcast %scan3A_240 : i32 to vector<16xi32>
          %reshape3A_248 = vector.shape_cast %broadcast_in_dim3A_247 : vector<16xi32> to vector<16x1xi32>
          %gather3A_249 = vector.shape_cast %reshape3A_248 : vector<16x1xi32> to vector<16xi32>
          %gather3A_250 = tpu.dynamic_gather %get3A_198[%gather3A_249] in [0] : vector<16xf32>, vector<16xi32> -> vector<16xf32>
          %sub3A_251 = arith.subf %get3A_43, %gather3A_250 : vector<16xf32>
          %broadcast_in_dim3A_252 = vector.broadcast %scan3A_240 : i32 to vector<16xi32>
          %reshape3A_253 = vector.shape_cast %broadcast_in_dim3A_252 : vector<16xi32> to vector<16x1xi32>
          %gather3A_254 = vector.shape_cast %reshape3A_253 : vector<16x1xi32> to vector<16xi32>
          %gather3A_255 = tpu.dynamic_gather %get3A_202[%gather3A_254] in [0] : vector<16xf32>, vector<16xi32> -> vector<16xf32>
          %sub3A_256 = arith.subf %get3A_47, %gather3A_255 : vector<16xf32>
          %broadcast_in_dim3A_257 = vector.broadcast %scan3A_240 : i32 to vector<16xi32>
          %reshape3A_258 = vector.shape_cast %broadcast_in_dim3A_257 : vector<16xi32> to vector<16x1xi32>
          %gather3A_259 = vector.shape_cast %reshape3A_258 : vector<16x1xi32> to vector<16xi32>
          %gather3A_260 = tpu.dynamic_gather %get3A_206[%gather3A_259] in [0] : vector<16xf32>, vector<16xi32> -> vector<16xf32>
          %broadcast_in_dim3A_261 = vector.broadcast %scan3A_240 : i32 to vector<16xi32>
          %reshape3A_262 = vector.shape_cast %broadcast_in_dim3A_261 : vector<16xi32> to vector<16x1xi32>
          %gather3A_263 = vector.shape_cast %reshape3A_262 : vector<16x1xi32> to vector<16xi32>
          %gather3A_264 = tpu.dynamic_gather %get3A_210[%gather3A_263] in [0] : vector<16xf32>, vector<16xi32> -> vector<16xf32>
          %mul3A_265 = arith.mulf %sub3A_246, %gather3A_260 : vector<16xf32>
          %mul3A_266 = arith.mulf %sub3A_251, %gather3A_264 : vector<16xf32>
          %add3A_267 = arith.addf %mul3A_265, %mul3A_266 : vector<16xf32>
          %neg3A = arith.constant 0.000000e+00 : f32
          %neg3A_268 = vector.broadcast %neg3A : f32 to vector<16xf32>
          %neg3A_269 = arith.subf %neg3A_268, %sub3A_246 : vector<16xf32>
          %mul3A_270 = arith.mulf %neg3A_269, %gather3A_264 : vector<16xf32>
          %mul3A_271 = arith.mulf %sub3A_251, %gather3A_260 : vector<16xf32>
          %add3A_272 = arith.addf %mul3A_270, %mul3A_271 : vector<16xf32>
          %abs3A = math.absf %add3A_267 : vector<16xf32>
          %abs3A_273 = math.absf %add3A_272 : vector<16xf32>
          %abs3A_274 = math.absf %sub3A_256 : vector<16xf32>
          %broadcast_in_dim3A_275 = vector.broadcast %scan3A_240 : i32 to vector<16xi32>
          %reshape3A_276 = vector.shape_cast %broadcast_in_dim3A_275 : vector<16xi32> to vector<16x1xi32>
          %gather3A_277 = vector.shape_cast %reshape3A_276 : vector<16x1xi32> to vector<16xi32>
          %gather3A_278 = tpu.dynamic_gather %get3A_214[%gather3A_277] in [0] : vector<16xf32>, vector<16xi32> -> vector<16xf32>
          %le3A = arith.cmpf ole, %abs3A, %gather3A_278 : vector<16xf32>
          %broadcast_in_dim3A_279 = vector.broadcast %scan3A_240 : i32 to vector<16xi32>
          %reshape3A_280 = vector.shape_cast %broadcast_in_dim3A_279 : vector<16xi32> to vector<16x1xi32>
          %gather3A_281 = vector.shape_cast %reshape3A_280 : vector<16x1xi32> to vector<16xi32>
          %gather3A_282 = tpu.dynamic_gather %get3A_218[%gather3A_281] in [0] : vector<16xf32>, vector<16xi32> -> vector<16xf32>
          %le3A_283 = arith.cmpf ole, %abs3A_273, %gather3A_282 : vector<16xf32>
          %and3A_284 = arith.andi %le3A, %le3A_283 : vector<16xi1>
          %broadcast_in_dim3A_285 = vector.broadcast %scan3A_240 : i32 to vector<16xi32>
          %reshape3A_286 = vector.shape_cast %broadcast_in_dim3A_285 : vector<16xi32> to vector<16x1xi32>
          %gather3A_287 = vector.shape_cast %reshape3A_286 : vector<16x1xi32> to vector<16xi32>
          %gather3A_288 = tpu.dynamic_gather %get3A_222[%gather3A_287] in [0] : vector<16xf32>, vector<16xi32> -> vector<16xf32>
          %le3A_289 = arith.cmpf ole, %abs3A_274, %gather3A_288 : vector<16xf32>
          %and3A_290 = arith.andi %and3A_284, %le3A_289 : vector<16xi1>
          %and3A_291 = arith.andi %and3A_290, %eq3A_190 : vector<16xi1>
          %broadcast_in_dim3A_292 = vector.broadcast %scan3A_240 : i32 to vector<16xi32>
          %reshape3A_293 = vector.shape_cast %broadcast_in_dim3A_292 : vector<16xi32> to vector<16x1xi32>
          %gather3A_294 = vector.shape_cast %reshape3A_293 : vector<16x1xi32> to vector<16xi32>
          %gather3A_295 = tpu.dynamic_gather %get3A_226[%gather3A_294] in [0] : vector<16xf32>, vector<16xi32> -> vector<16xf32>
          %le3A_296 = arith.cmpf ole, %abs3A, %gather3A_295 : vector<16xf32>
          %broadcast_in_dim3A_297 = vector.broadcast %scan3A_240 : i32 to vector<16xi32>
          %reshape3A_298 = vector.shape_cast %broadcast_in_dim3A_297 : vector<16xi32> to vector<16x1xi32>
          %gather3A_299 = vector.shape_cast %reshape3A_298 : vector<16x1xi32> to vector<16xi32>
          %gather3A_300 = tpu.dynamic_gather %get3A_230[%gather3A_299] in [0] : vector<16xf32>, vector<16xi32> -> vector<16xf32>
          %le3A_301 = arith.cmpf ole, %abs3A_273, %gather3A_300 : vector<16xf32>
          %and3A_302 = arith.andi %le3A_296, %le3A_301 : vector<16xi1>
          %broadcast_in_dim3A_303 = vector.broadcast %scan3A_240 : i32 to vector<16xi32>
          %reshape3A_304 = vector.shape_cast %broadcast_in_dim3A_303 : vector<16xi32> to vector<16x1xi32>
          %gather3A_305 = vector.shape_cast %reshape3A_304 : vector<16x1xi32> to vector<16xi32>
          %gather3A_306 = tpu.dynamic_gather %get3A_234[%gather3A_305] in [0] : vector<16xf32>, vector<16xi32> -> vector<16xf32>
          %le3A_307 = arith.cmpf ole, %abs3A_274, %gather3A_306 : vector<16xf32>
          %and3A_308 = arith.andi %and3A_302, %le3A_307 : vector<16xi1>
          %and3A_309 = arith.andi %and3A_308, %eq3A_190 : vector<16xi1>
          %add3A_310 = arith.addi %mul3A_169, %scan3A_240 : i32
          %broadcast_in_dim3A_311 = vector.broadcast %add3A_310 : i32 to vector<16xi32>
          %broadcast_in_dim3A_312 = vector.broadcast %while3A_18 : i32 to vector<16xi32>
          %select_n3A_313 = arith.select %and3A_291, %broadcast_in_dim3A_311, %broadcast_in_dim3A_312 : vector<16xi1>, vector<16xi32>
          %min3A_314 = arith.minsi %scan3A_241, %select_n3A_313 : vector<16xi32>
          %jit3A_315 = arith.constant 1 : i32
          %broadcast_in_dim3A_316 = vector.broadcast %jit3A_315 : i32 to vector<16xi32>
          %select_n3A_317 = arith.select %and3A_309, %broadcast_in_dim3A_316, %scan3A_242 : vector<16xi1>, vector<16xi32>
          scf.yield %min3A_314, %select_n3A_317 : vector<16xi32>, vector<16xi32>
        }
        %scan3A_239 = arith.constant 16 : i32
        scf.yield %scan3A_238#0, %scan3A_238#1 : vector<16xi32>, vector<16xi32>
      }
      %lt3A_68 = vector.broadcast %while3A_18 : i32 to vector<16xi32>
      %lt3A_69 = arith.cmpi slt, %while3A_67#0, %lt3A_68 : vector<16xi32>
      %ne3A = arith.constant 0 : i32
      %ne3A_70 = vector.broadcast %ne3A : i32 to vector<16xi32>
      %ne3A_71 = arith.cmpi ne, %while3A_67#1, %ne3A_70 : vector<16xi32>
      %xor3A = arith.xori %lt3A_69, %ne3A_71 : vector<16xi1>
      %jit3A_72 = arith.constant 1 : i32
      %jit3A_73 = arith.constant 0 : i32
      %broadcast_in_dim3A_74 = vector.broadcast %jit3A_72 : i32 to vector<16xi32>
      %broadcast_in_dim3A_75 = vector.broadcast %jit3A_73 : i32 to vector<16xi32>
      %select_n3A_76 = arith.select %lt3A_69, %broadcast_in_dim3A_74, %broadcast_in_dim3A_75 : vector<16xi1>, vector<16xi32>
      %jit3A_77 = arith.constant -1 : i32
      %broadcast_in_dim3A_78 = vector.broadcast %jit3A_77 : i32 to vector<16xi32>
      %select_n3A_79 = arith.select %xor3A, %broadcast_in_dim3A_78, %select_n3A_76 : vector<16xi1>, vector<16xi32>
      %swap3A = arith.index_cast %mul3A_33 : i32 to index
      %swap3A_80 = tpu.vector_load %arg8[%swap3A] {strides = array<i32>} : memref<448xi32, #tpu.memory_space<vmem>>, vector<16xi32>,
      tpu.vector_store %arg8[%swap3A], %select_n3A_79 {strides = array<i32>} : memref<448xi32, #tpu.memory_space<vmem>>, vector<16xi32>,
      %jit3A_81 = arith.constant 0 : i32
      %broadcast_in_dim3A_82 = vector.broadcast %jit3A_81 : i32 to vector<16xi32>
      %select_n3A_83 = arith.select %lt3A_69, %while3A_67#0, %broadcast_in_dim3A_82 : vector<16xi1>, vector<16xi32>
      %broadcast_in_dim3A_84 = arith.constant 0 : i32
      %broadcast_in_dim3A_85 = vector.broadcast %broadcast_in_dim3A_84 : i32 to vector<16xi32>
      %gather3A = tpu.vector_load_idx %arg6[%broadcast_in_dim3A_85, %select_n3A_83] : memref<16x256xf32, #tpu.memory_space<vmem>>[vector<16xi32>, vector<16xi32>], vector<16xf32>,
      %sub3A = arith.subf %gather3A, %get3A_39 : vector<16xf32>
      %jit3A_86 = arith.constant 0.000000e+00 : f32
      %broadcast_in_dim3A_87 = vector.broadcast %jit3A_86 : f32 to vector<16xf32>
      %select_n3A_88 = arith.select %lt3A_69, %sub3A, %broadcast_in_dim3A_87 : vector<16xi1>, vector<16xf32>
      %add3A_89 = vector.broadcast %mul3A_33 : i32 to vector<16xi32>
      %add3A_90 = arith.addi %add3A_89, %iota3A : vector<16xi32>
      %broadcast_in_dim3A_91 = arith.constant 0 : i32
      %broadcast_in_dim3A_92 = vector.broadcast %broadcast_in_dim3A_91 : i32 to vector<16xi32>
      tpu.vector_store_idx %arg9[%add3A_90, %broadcast_in_dim3A_92], %select_n3A_88 : memref<448x8xf32, #tpu.memory_space<vmem>>[vector<16xi32>, vector<16xi32>], vector<16xf32>,
      %broadcast_in_dim3A_93 = arith.constant 1 : i32
      %broadcast_in_dim3A_94 = vector.broadcast %broadcast_in_dim3A_93 : i32 to vector<16xi32>
      %gather3A_95 = tpu.vector_load_idx %arg6[%broadcast_in_dim3A_94, %select_n3A_83] : memref<16x256xf32, #tpu.memory_space<vmem>>[vector<16xi32>, vector<16xi32>], vector<16xf32>,
      %sub3A_96 = arith.subf %gather3A_95, %get3A_43 : vector<16xf32>
      %jit3A_97 = arith.constant 0.000000e+00 : f32
      %broadcast_in_dim3A_98 = vector.broadcast %jit3A_97 : f32 to vector<16xf32>
      %select_n3A_99 = arith.select %lt3A_69, %sub3A_96, %broadcast_in_dim3A_98 : vector<16xi1>, vector<16xf32>
      %add3A_100 = vector.broadcast %mul3A_33 : i32 to vector<16xi32>
      %add3A_101 = arith.addi %add3A_100, %iota3A : vector<16xi32>
      %broadcast_in_dim3A_102 = arith.constant 1 : i32
      %broadcast_in_dim3A_103 = vector.broadcast %broadcast_in_dim3A_102 : i32 to vector<16xi32>
      tpu.vector_store_idx %arg9[%add3A_101, %broadcast_in_dim3A_103], %select_n3A_99 : memref<448x8xf32, #tpu.memory_space<vmem>>[vector<16xi32>, vector<16xi32>], vector<16xf32>,
      %broadcast_in_dim3A_104 = arith.constant 2 : i32
      %broadcast_in_dim3A_105 = vector.broadcast %broadcast_in_dim3A_104 : i32 to vector<16xi32>
      %gather3A_106 = tpu.vector_load_idx %arg6[%broadcast_in_dim3A_105, %select_n3A_83] : memref<16x256xf32, #tpu.memory_space<vmem>>[vector<16xi32>, vector<16xi32>], vector<16xf32>,
      %sub3A_107 = arith.subf %gather3A_106, %get3A_47 : vector<16xf32>
      %jit3A_108 = arith.constant 0.000000e+00 : f32
      %broadcast_in_dim3A_109 = vector.broadcast %jit3A_108 : f32 to vector<16xf32>
      %select_n3A_110 = arith.select %lt3A_69, %sub3A_107, %broadcast_in_dim3A_109 : vector<16xi1>, vector<16xf32>
      %add3A_111 = vector.broadcast %mul3A_33 : i32 to vector<16xi32>
      %add3A_112 = arith.addi %add3A_111, %iota3A : vector<16xi32>
      %broadcast_in_dim3A_113 = arith.constant 2 : i32
      %broadcast_in_dim3A_114 = vector.broadcast %broadcast_in_dim3A_113 : i32 to vector<16xi32>
      tpu.vector_store_idx %arg9[%add3A_112, %broadcast_in_dim3A_114], %select_n3A_110 : memref<448x8xf32, #tpu.memory_space<vmem>>[vector<16xi32>, vector<16xi32>], vector<16xf32>,
      %broadcast_in_dim3A_115 = arith.constant 11 : i32
      %broadcast_in_dim3A_116 = vector.broadcast %broadcast_in_dim3A_115 : i32 to vector<16xi32>
      %gather3A_117 = tpu.vector_load_idx %arg6[%broadcast_in_dim3A_116, %select_n3A_83] : memref<16x256xf32, #tpu.memory_space<vmem>>[vector<16xi32>, vector<16xi32>], vector<16xf32>,
      %jit3A_118 = arith.constant 0.000000e+00 : f32
      %broadcast_in_dim3A_119 = vector.broadcast %jit3A_118 : f32 to vector<16xf32>
      %select_n3A_120 = arith.select %lt3A_69, %gather3A_117, %broadcast_in_dim3A_119 : vector<16xi1>, vector<16xf32>
      %add3A_121 = vector.broadcast %mul3A_33 : i32 to vector<16xi32>
      %add3A_122 = arith.addi %add3A_121, %iota3A : vector<16xi32>
      %broadcast_in_dim3A_123 = arith.constant 3 : i32
      %broadcast_in_dim3A_124 = vector.broadcast %broadcast_in_dim3A_123 : i32 to vector<16xi32>
      tpu.vector_store_idx %arg9[%add3A_122, %broadcast_in_dim3A_124], %select_n3A_120 : memref<448x8xf32, #tpu.memory_space<vmem>>[vector<16xi32>, vector<16xi32>], vector<16xf32>,
      %broadcast_in_dim3A_125 = arith.constant 12 : i32
      %broadcast_in_dim3A_126 = vector.broadcast %broadcast_in_dim3A_125 : i32 to vector<16xi32>
      %gather3A_127 = tpu.vector_load_idx %arg6[%broadcast_in_dim3A_126, %select_n3A_83] : memref<16x256xf32, #tpu.memory_space<vmem>>[vector<16xi32>, vector<16xi32>], vector<16xf32>,
      %jit3A_128 = arith.constant 0.000000e+00 : f32
      %broadcast_in_dim3A_129 = vector.broadcast %jit3A_128 : f32 to vector<16xf32>
      %select_n3A_130 = arith.select %lt3A_69, %gather3A_127, %broadcast_in_dim3A_129 : vector<16xi1>, vector<16xf32>
      %add3A_131 = vector.broadcast %mul3A_33 : i32 to vector<16xi32>
      %add3A_132 = arith.addi %add3A_131, %iota3A : vector<16xi32>
      %broadcast_in_dim3A_133 = arith.constant 4 : i32
      %broadcast_in_dim3A_134 = vector.broadcast %broadcast_in_dim3A_133 : i32 to vector<16xi32>
      tpu.vector_store_idx %arg9[%add3A_132, %broadcast_in_dim3A_134], %select_n3A_130 : memref<448x8xf32, #tpu.memory_space<vmem>>[vector<16xi32>, vector<16xi32>], vector<16xf32>,
      %broadcast_in_dim3A_135 = arith.constant 13 : i32
      %broadcast_in_dim3A_136 = vector.broadcast %broadcast_in_dim3A_135 : i32 to vector<16xi32>
      %gather3A_137 = tpu.vector_load_idx %arg6[%broadcast_in_dim3A_136, %select_n3A_83] : memref<16x256xf32, #tpu.memory_space<vmem>>[vector<16xi32>, vector<16xi32>], vector<16xf32>,
      %jit3A_138 = arith.constant 0.000000e+00 : f32
      %broadcast_in_dim3A_139 = vector.broadcast %jit3A_138 : f32 to vector<16xf32>
      %select_n3A_140 = arith.select %lt3A_69, %gather3A_137, %broadcast_in_dim3A_139 : vector<16xi1>, vector<16xf32>
      %add3A_141 = vector.broadcast %mul3A_33 : i32 to vector<16xi32>
      %add3A_142 = arith.addi %add3A_141, %iota3A : vector<16xi32>
      %broadcast_in_dim3A_143 = arith.constant 5 : i32
      %broadcast_in_dim3A_144 = vector.broadcast %broadcast_in_dim3A_143 : i32 to vector<16xi32>
      tpu.vector_store_idx %arg9[%add3A_142, %broadcast_in_dim3A_144], %select_n3A_140 : memref<448x8xf32, #tpu.memory_space<vmem>>[vector<16xi32>, vector<16xi32>], vector<16xf32>,
      %broadcast_in_dim3A_145 = arith.constant 3 : i32
      %broadcast_in_dim3A_146 = vector.broadcast %broadcast_in_dim3A_145 : i32 to vector<16xi32>
      %gather3A_147 = tpu.vector_load_idx %arg6[%broadcast_in_dim3A_146, %select_n3A_83] : memref<16x256xf32, #tpu.memory_space<vmem>>[vector<16xi32>, vector<16xi32>], vector<16xf32>,
      %jit3A_148 = arith.constant 0.000000e+00 : f32
      %broadcast_in_dim3A_149 = vector.broadcast %jit3A_148 : f32 to vector<16xf32>
      %select_n3A_150 = arith.select %lt3A_69, %gather3A_147, %broadcast_in_dim3A_149 : vector<16xi1>, vector<16xf32>
      %add3A_151 = vector.broadcast %mul3A_33 : i32 to vector<16xi32>
      %add3A_152 = arith.addi %add3A_151, %iota3A : vector<16xi32>
      %broadcast_in_dim3A_153 = arith.constant 6 : i32
      %broadcast_in_dim3A_154 = vector.broadcast %broadcast_in_dim3A_153 : i32 to vector<16xi32>
      tpu.vector_store_idx %arg9[%add3A_152, %broadcast_in_dim3A_154], %select_n3A_150 : memref<448x8xf32, #tpu.memory_space<vmem>>[vector<16xi32>, vector<16xi32>], vector<16xf32>,
      %broadcast_in_dim3A_155 = arith.constant 4 : i32
      %broadcast_in_dim3A_156 = vector.broadcast %broadcast_in_dim3A_155 : i32 to vector<16xi32>
      %gather3A_157 = tpu.vector_load_idx %arg6[%broadcast_in_dim3A_156, %select_n3A_83] : memref<16x256xf32, #tpu.memory_space<vmem>>[vector<16xi32>, vector<16xi32>], vector<16xf32>,
      %jit3A_158 = arith.constant 0.000000e+00 : f32
      %broadcast_in_dim3A_159 = vector.broadcast %jit3A_158 : f32 to vector<16xf32>
      %select_n3A_160 = arith.select %lt3A_69, %gather3A_157, %broadcast_in_dim3A_159 : vector<16xi1>, vector<16xf32>
      %add3A_161 = vector.broadcast %mul3A_33 : i32 to vector<16xi32>
      %add3A_162 = arith.addi %add3A_161, %iota3A : vector<16xi32>
      %broadcast_in_dim3A_163 = arith.constant 7 : i32
      %broadcast_in_dim3A_164 = vector.broadcast %broadcast_in_dim3A_163 : i32 to vector<16xi32>
      tpu.vector_store_idx %arg9[%add3A_162, %broadcast_in_dim3A_164], %select_n3A_160 : memref<448x8xf32, #tpu.memory_space<vmem>>[vector<16xi32>, vector<16xi32>], vector<16xf32>,
    }
    %while3A_27 = arith.constant 1 : i32
    scf.for %while3A_31 = %while3A_25 to %while3A_21 step %while3A_27  : i32 {
      %mul3A_32 = arith.constant 16 : i32
      %mul3A_33 = arith.muli %while3A_31, %mul3A_32 : i32
      %iota3A = tpu.iota {dimensions = array<i32: 0>} : vector<16xi32>
      %get3A = arith.index_cast %mul3A_33 : i32 to index
      %get3A_34 = tpu.vector_load %arg7[%get3A] {strides = array<i32>} : memref<1792xf32, #tpu.memory_space<vmem>>, vector<16xf32>,
      %convert_element_type3A_35 = arith.fptosi %get3A_34 : vector<16xf32> to vector<16xi32>
      %add3A_36 = arith.constant 448 : i32
      %add3A_37 = arith.addi %add3A_36, %mul3A_33 : i32
      %get3A_38 = arith.index_cast %add3A_37 : i32 to index
      %get3A_39 = tpu.vector_load %arg7[%get3A_38] {strides = array<i32>} : memref<1792xf32, #tpu.memory_space<vmem>>, vector<16xf32>,
      %add3A_40 = arith.constant 896 : i32
      %add3A_41 = arith.addi %add3A_40, %mul3A_33 : i32
      %get3A_42 = arith.index_cast %add3A_41 : i32 to index
      %get3A_43 = tpu.vector_load %arg7[%get3A_42] {strides = array<i32>} : memref<1792xf32, #tpu.memory_space<vmem>>, vector<16xf32>,
      %add3A_44 = arith.constant 1344 : i32
      %add3A_45 = arith.addi %add3A_44, %mul3A_33 : i32
      %get3A_46 = arith.index_cast %add3A_45 : i32 to index
      %get3A_47 = tpu.vector_load %arg7[%get3A_46] {strides = array<i32>} : memref<1792xf32, #tpu.memory_space<vmem>>, vector<16xf32>,
      %broadcast_in_dim3A = vector.broadcast %while3A_18 : i32 to vector<16xi32>
      %broadcast_in_dim3A_48 = arith.constant 0 : i32
      %broadcast_in_dim3A_49 = vector.broadcast %broadcast_in_dim3A_48 : i32 to vector<16xi32>
      %slice3A = vector.extract_strided_slice %convert_element_type3A_35 {offsets = [0], sizes = [1], strides = [1]} : vector<16xi32> to vector<1xi32>
      %squeeze3A = vector.extract %slice3A[0] : i32 from vector<1xi32>
      %slice3A_50 = vector.extract_strided_slice %convert_element_type3A_35 {offsets = [15], sizes = [1], strides = [1]} : vector<16xi32> to vector<1xi32>
      %squeeze3A_51 = vector.extract %slice3A_50[0] : i32 from vector<1xi32>
      %mul3A_52 = arith.constant 4 : i32
      %mul3A_53 = arith.muli %squeeze3A, %mul3A_52 : i32
      %add3A_54 = arith.constant 1 : i32
      %add3A_55 = arith.addi %squeeze3A_51, %add3A_54 : i32
      %mul3A_56 = arith.constant 4 : i32
      %mul3A_57 = arith.muli %add3A_55, %mul3A_56 : i32
      %while3A_58 = arith.subi %mul3A_57, %mul3A_53 : i32
      %while3A_59 = arith.addi %mul3A_53, %while3A_58 : i32
      %while3A_60 = arith.constant 1 : i32
      %while3A_61 = arith.divsi %while3A_58, %while3A_60 : i32
      %while3A_62 = arith.muli %while3A_61, %while3A_60 : i32
      %while3A_63 = arith.addi %mul3A_53, %while3A_62 : i32
      %while3A_64 = arith.constant 1 : i32
      %while3A_65:2 = scf.for %while3A_165 = %mul3A_53 to %while3A_63 step %while3A_64 iter_args(%while3A_166 = %broadcast_in_dim3A, %while3A_167 = %broadcast_in_dim3A_49) -> (vector<16xi32>, vector<16xi32>)  : i32 {
        %mul3A_168 = arith.constant 16 : i32
        %mul3A_169 = arith.muli %while3A_165, %mul3A_168 : i32
        %jit3A_170 = arith.constant 4 : i32
        %div3A = arith.divsi %while3A_165, %jit3A_170 : i32
        %sign3A = arith.constant 0 : i32
        %sign3A_171 = arith.cmpi sgt, %while3A_165, %sign3A : i32
        %sign3A_172 = arith.extui %sign3A_171 : i1 to i32
        %sign3A_173 = arith.constant 0 : i32
        %sign3A_174 = arith.cmpi slt, %while3A_165, %sign3A_173 : i32
        %sign3A_175 = arith.extui %sign3A_174 : i1 to i32
        %sign3A_176 = arith.subi %sign3A_172, %sign3A_175 : i32
        %sign3A_177 = arith.constant 0 : i32
        %sign3A_178 = arith.cmpi sgt, %jit3A_170, %sign3A_177 : i32
        %sign3A_179 = arith.extui %sign3A_178 : i1 to i32
        %sign3A_180 = arith.constant 0 : i32
        %sign3A_181 = arith.cmpi slt, %jit3A_170, %sign3A_180 : i32
        %sign3A_182 = arith.extui %sign3A_181 : i1 to i32
        %sign3A_183 = arith.subi %sign3A_179, %sign3A_182 : i32
        %ne3A_184 = arith.cmpi ne, %sign3A_176, %sign3A_183 : i32
        %rem3A = arith.remsi %while3A_165, %jit3A_170 : i32
        %ne3A_185 = arith.constant 0 : i32
        %ne3A_186 = arith.cmpi ne, %rem3A, %ne3A_185 : i32
        %and3A = arith.andi %ne3A_184, %ne3A_186 : i1
        %sub3A_187 = arith.constant 1 : i32
        %sub3A_188 = arith.subi %div3A, %sub3A_187 : i32
        %select_n3A_189 = arith.select %and3A, %sub3A_188, %div3A : i32
        %eq3A = vector.broadcast %select_n3A_189 : i32 to vector<16xi32>
        %eq3A_190 = arith.cmpi eq, %convert_element_type3A_35, %eq3A : vector<16xi32>
        %get3A_191 = arith.constant 0 : i32
        %get3A_192 = arith.index_cast %get3A_191 : i32 to index
        %get3A_193 = arith.index_cast %mul3A_169 : i32 to index
        %get3A_194 = tpu.vector_load %arg6[%get3A_192, %get3A_193] {strides = array<i32>} : memref<16x256xf32, #tpu.memory_space<vmem>>, vector<16xf32>,
        %get3A_195 = arith.constant 1 : i32
        %get3A_196 = arith.index_cast %get3A_195 : i32 to index
        %get3A_197 = arith.index_cast %mul3A_169 : i32 to index
        %get3A_198 = tpu.vector_load %arg6[%get3A_196, %get3A_197] {strides = array<i32>} : memref<16x256xf32, #tpu.memory_space<vmem>>, vector<16xf32>,
        %get3A_199 = arith.constant 2 : i32
        %get3A_200 = arith.index_cast %get3A_199 : i32 to index
        %get3A_201 = arith.index_cast %mul3A_169 : i32 to index
        %get3A_202 = tpu.vector_load %arg6[%get3A_200, %get3A_201] {strides = array<i32>} : memref<16x256xf32, #tpu.memory_space<vmem>>, vector<16xf32>,
        %get3A_203 = arith.constant 3 : i32
        %get3A_204 = arith.index_cast %get3A_203 : i32 to index
        %get3A_205 = arith.index_cast %mul3A_169 : i32 to index
        %get3A_206 = tpu.vector_load %arg6[%get3A_204, %get3A_205] {strides = array<i32>} : memref<16x256xf32, #tpu.memory_space<vmem>>, vector<16xf32>,
        %get3A_207 = arith.constant 4 : i32
        %get3A_208 = arith.index_cast %get3A_207 : i32 to index
        %get3A_209 = arith.index_cast %mul3A_169 : i32 to index
        %get3A_210 = tpu.vector_load %arg6[%get3A_208, %get3A_209] {strides = array<i32>} : memref<16x256xf32, #tpu.memory_space<vmem>>, vector<16xf32>,
        %get3A_211 = arith.constant 5 : i32
        %get3A_212 = arith.index_cast %get3A_211 : i32 to index
        %get3A_213 = arith.index_cast %mul3A_169 : i32 to index
        %get3A_214 = tpu.vector_load %arg6[%get3A_212, %get3A_213] {strides = array<i32>} : memref<16x256xf32, #tpu.memory_space<vmem>>, vector<16xf32>,
        %get3A_215 = arith.constant 6 : i32
        %get3A_216 = arith.index_cast %get3A_215 : i32 to index
        %get3A_217 = arith.index_cast %mul3A_169 : i32 to index
        %get3A_218 = tpu.vector_load %arg6[%get3A_216, %get3A_217] {strides = array<i32>} : memref<16x256xf32, #tpu.memory_space<vmem>>, vector<16xf32>,
        %get3A_219 = arith.constant 7 : i32
        %get3A_220 = arith.index_cast %get3A_219 : i32 to index
        %get3A_221 = arith.index_cast %mul3A_169 : i32 to index
        %get3A_222 = tpu.vector_load %arg6[%get3A_220, %get3A_221] {strides = array<i32>} : memref<16x256xf32, #tpu.memory_space<vmem>>, vector<16xf32>,
        %get3A_223 = arith.constant 8 : i32
        %get3A_224 = arith.index_cast %get3A_223 : i32 to index
        %get3A_225 = arith.index_cast %mul3A_169 : i32 to index
        %get3A_226 = tpu.vector_load %arg6[%get3A_224, %get3A_225] {strides = array<i32>} : memref<16x256xf32, #tpu.memory_space<vmem>>, vector<16xf32>,
        %get3A_227 = arith.constant 9 : i32
        %get3A_228 = arith.index_cast %get3A_227 : i32 to index
        %get3A_229 = arith.index_cast %mul3A_169 : i32 to index
        %get3A_230 = tpu.vector_load %arg6[%get3A_228, %get3A_229] {strides = array<i32>} : memref<16x256xf32, #tpu.memory_space<vmem>>, vector<16xf32>,
        %get3A_231 = arith.constant 10 : i32
        %get3A_232 = arith.index_cast %get3A_231 : i32 to index
        %get3A_233 = arith.index_cast %mul3A_169 : i32 to index
        %get3A_234 = tpu.vector_load %arg6[%get3A_232, %get3A_233] {strides = array<i32>} : memref<16x256xf32, #tpu.memory_space<vmem>>, vector<16xf32>,
        %scan3A = arith.constant 0 : i32
        %scan3A_235 = arith.constant 16 : i32
        %scan3A_236 = arith.addi %scan3A, %scan3A_235 : i32
        %scan3A_237 = arith.constant 1 : i32
        %scan3A_238:2 = scf.for %scan3A_240 = %scan3A to %scan3A_236 step %scan3A_237 iter_args(%scan3A_241 = %while3A_166, %scan3A_242 = %while3A_167) -> (vector<16xi32>, vector<16xi32>)  : i32 {
          %broadcast_in_dim3A_243 = vector.broadcast %scan3A_240 : i32 to vector<16xi32>
          %reshape3A = vector.shape_cast %broadcast_in_dim3A_243 : vector<16xi32> to vector<16x1xi32>
          %gather3A_244 = vector.shape_cast %reshape3A : vector<16x1xi32> to vector<16xi32>
          %gather3A_245 = tpu.dynamic_gather %get3A_194[%gather3A_244] in [0] : vector<16xf32>, vector<16xi32> -> vector<16xf32>
          %sub3A_246 = arith.subf %get3A_39, %gather3A_245 : vector<16xf32>
          %broadcast_in_dim3A_247 = vector.broadcast %scan3A_240 : i32 to vector<16xi32>
          %reshape3A_248 = vector.shape_cast %broadcast_in_dim3A_247 : vector<16xi32> to vector<16x1xi32>
          %gather3A_249 = vector.shape_cast %reshape3A_248 : vector<16x1xi32> to vector<16xi32>
          %gather3A_250 = tpu.dynamic_gather %get3A_198[%gather3A_249] in [0] : vector<16xf32>, vector<16xi32> -> vector<16xf32>
          %sub3A_251 = arith.subf %get3A_43, %gather3A_250 : vector<16xf32>
          %broadcast_in_dim3A_252 = vector.broadcast %scan3A_240 : i32 to vector<16xi32>
          %reshape3A_253 = vector.shape_cast %broadcast_in_dim3A_252 : vector<16xi32> to vector<16x1xi32>
          %gather3A_254 = vector.shape_cast %reshape3A_253 : vector<16x1xi32> to vector<16xi32>
          %gather3A_255 = tpu.dynamic_gather %get3A_202[%gather3A_254] in [0] : vector<16xf32>, vector<16xi32> -> vector<16xf32>
          %sub3A_256 = arith.subf %get3A_47, %gather3A_255 : vector<16xf32>
          %broadcast_in_dim3A_257 = vector.broadcast %scan3A_240 : i32 to vector<16xi32>
          %reshape3A_258 = vector.shape_cast %broadcast_in_dim3A_257 : vector<16xi32> to vector<16x1xi32>
          %gather3A_259 = vector.shape_cast %reshape3A_258 : vector<16x1xi32> to vector<16xi32>
          %gather3A_260 = tpu.dynamic_gather %get3A_206[%gather3A_259] in [0] : vector<16xf32>, vector<16xi32> -> vector<16xf32>
          %broadcast_in_dim3A_261 = vector.broadcast %scan3A_240 : i32 to vector<16xi32>
          %reshape3A_262 = vector.shape_cast %broadcast_in_dim3A_261 : vector<16xi32> to vector<16x1xi32>
          %gather3A_263 = vector.shape_cast %reshape3A_262 : vector<16x1xi32> to vector<16xi32>
          %gather3A_264 = tpu.dynamic_gather %get3A_210[%gather3A_263] in [0] : vector<16xf32>, vector<16xi32> -> vector<16xf32>
          %mul3A_265 = arith.mulf %sub3A_246, %gather3A_260 : vector<16xf32>
          %mul3A_266 = arith.mulf %sub3A_251, %gather3A_264 : vector<16xf32>
          %add3A_267 = arith.addf %mul3A_265, %mul3A_266 : vector<16xf32>
          %neg3A = arith.constant 0.000000e+00 : f32
          %neg3A_268 = vector.broadcast %neg3A : f32 to vector<16xf32>
          %neg3A_269 = arith.subf %neg3A_268, %sub3A_246 : vector<16xf32>
          %mul3A_270 = arith.mulf %neg3A_269, %gather3A_264 : vector<16xf32>
          %mul3A_271 = arith.mulf %sub3A_251, %gather3A_260 : vector<16xf32>
          %add3A_272 = arith.addf %mul3A_270, %mul3A_271 : vector<16xf32>
          %abs3A = math.absf %add3A_267 : vector<16xf32>
          %abs3A_273 = math.absf %add3A_272 : vector<16xf32>
          %abs3A_274 = math.absf %sub3A_256 : vector<16xf32>
          %broadcast_in_dim3A_275 = vector.broadcast %scan3A_240 : i32 to vector<16xi32>
          %reshape3A_276 = vector.shape_cast %broadcast_in_dim3A_275 : vector<16xi32> to vector<16x1xi32>
          %gather3A_277 = vector.shape_cast %reshape3A_276 : vector<16x1xi32> to vector<16xi32>
          %gather3A_278 = tpu.dynamic_gather %get3A_214[%gather3A_277] in [0] : vector<16xf32>, vector<16xi32> -> vector<16xf32>
          %le3A = arith.cmpf ole, %abs3A, %gather3A_278 : vector<16xf32>
          %broadcast_in_dim3A_279 = vector.broadcast %scan3A_240 : i32 to vector<16xi32>
          %reshape3A_280 = vector.shape_cast %broadcast_in_dim3A_279 : vector<16xi32> to vector<16x1xi32>
          %gather3A_281 = vector.shape_cast %reshape3A_280 : vector<16x1xi32> to vector<16xi32>
          %gather3A_282 = tpu.dynamic_gather %get3A_218[%gather3A_281] in [0] : vector<16xf32>, vector<16xi32> -> vector<16xf32>
          %le3A_283 = arith.cmpf ole, %abs3A_273, %gather3A_282 : vector<16xf32>
          %and3A_284 = arith.andi %le3A, %le3A_283 : vector<16xi1>
          %broadcast_in_dim3A_285 = vector.broadcast %scan3A_240 : i32 to vector<16xi32>
          %reshape3A_286 = vector.shape_cast %broadcast_in_dim3A_285 : vector<16xi32> to vector<16x1xi32>
          %gather3A_287 = vector.shape_cast %reshape3A_286 : vector<16x1xi32> to vector<16xi32>
          %gather3A_288 = tpu.dynamic_gather %get3A_222[%gather3A_287] in [0] : vector<16xf32>, vector<16xi32> -> vector<16xf32>
          %le3A_289 = arith.cmpf ole, %abs3A_274, %gather3A_288 : vector<16xf32>
          %and3A_290 = arith.andi %and3A_284, %le3A_289 : vector<16xi1>
          %and3A_291 = arith.andi %and3A_290, %eq3A_190 : vector<16xi1>
          %broadcast_in_dim3A_292 = vector.broadcast %scan3A_240 : i32 to vector<16xi32>
          %reshape3A_293 = vector.shape_cast %broadcast_in_dim3A_292 : vector<16xi32> to vector<16x1xi32>
          %gather3A_294 = vector.shape_cast %reshape3A_293 : vector<16x1xi32> to vector<16xi32>
          %gather3A_295 = tpu.dynamic_gather %get3A_226[%gather3A_294] in [0] : vector<16xf32>, vector<16xi32> -> vector<16xf32>
          %le3A_296 = arith.cmpf ole, %abs3A, %gather3A_295 : vector<16xf32>
          %broadcast_in_dim3A_297 = vector.broadcast %scan3A_240 : i32 to vector<16xi32>
          %reshape3A_298 = vector.shape_cast %broadcast_in_dim3A_297 : vector<16xi32> to vector<16x1xi32>
          %gather3A_299 = vector.shape_cast %reshape3A_298 : vector<16x1xi32> to vector<16xi32>
          %gather3A_300 = tpu.dynamic_gather %get3A_230[%gather3A_299] in [0] : vector<16xf32>, vector<16xi32> -> vector<16xf32>
          %le3A_301 = arith.cmpf ole, %abs3A_273, %gather3A_300 : vector<16xf32>
          %and3A_302 = arith.andi %le3A_296, %le3A_301 : vector<16xi1>
          %broadcast_in_dim3A_303 = vector.broadcast %scan3A_240 : i32 to vector<16xi32>
          %reshape3A_304 = vector.shape_cast %broadcast_in_dim3A_303 : vector<16xi32> to vector<16x1xi32>
          %gather3A_305 = vector.shape_cast %reshape3A_304 : vector<16x1xi32> to vector<16xi32>
          %gather3A_306 = tpu.dynamic_gather %get3A_234[%gather3A_305] in [0] : vector<16xf32>, vector<16xi32> -> vector<16xf32>
          %le3A_307 = arith.cmpf ole, %abs3A_274, %gather3A_306 : vector<16xf32>
          %and3A_308 = arith.andi %and3A_302, %le3A_307 : vector<16xi1>
          %and3A_309 = arith.andi %and3A_308, %eq3A_190 : vector<16xi1>
          %add3A_310 = arith.addi %mul3A_169, %scan3A_240 : i32
          %broadcast_in_dim3A_311 = vector.broadcast %add3A_310 : i32 to vector<16xi32>
          %broadcast_in_dim3A_312 = vector.broadcast %while3A_18 : i32 to vector<16xi32>
          %select_n3A_313 = arith.select %and3A_291, %broadcast_in_dim3A_311, %broadcast_in_dim3A_312 : vector<16xi1>, vector<16xi32>
          %min3A_314 = arith.minsi %scan3A_241, %select_n3A_313 : vector<16xi32>
          %jit3A_315 = arith.constant 1 : i32
          %broadcast_in_dim3A_316 = vector.broadcast %jit3A_315 : i32 to vector<16xi32>
          %select_n3A_317 = arith.select %and3A_309, %broadcast_in_dim3A_316, %scan3A_242 : vector<16xi1>, vector<16xi32>
          scf.yield %min3A_314, %select_n3A_317 : vector<16xi32>, vector<16xi32>
        }
        %scan3A_239 = arith.constant 16 : i32
        scf.yield %scan3A_238#0, %scan3A_238#1 : vector<16xi32>, vector<16xi32>
      }
      %while3A_66 = arith.constant 1 : i32
      %while3A_67:2 = scf.for %while3A_165 = %while3A_63 to %while3A_59 step %while3A_66 iter_args(%while3A_166 = %while3A_65#0, %while3A_167 = %while3A_65#1) -> (vector<16xi32>, vector<16xi32>)  : i32 {
        %mul3A_168 = arith.constant 16 : i32
        %mul3A_169 = arith.muli %while3A_165, %mul3A_168 : i32
        %jit3A_170 = arith.constant 4 : i32
        %div3A = arith.divsi %while3A_165, %jit3A_170 : i32
        %sign3A = arith.constant 0 : i32
        %sign3A_171 = arith.cmpi sgt, %while3A_165, %sign3A : i32
        %sign3A_172 = arith.extui %sign3A_171 : i1 to i32
        %sign3A_173 = arith.constant 0 : i32
        %sign3A_174 = arith.cmpi slt, %while3A_165, %sign3A_173 : i32
        %sign3A_175 = arith.extui %sign3A_174 : i1 to i32
        %sign3A_176 = arith.subi %sign3A_172, %sign3A_175 : i32
        %sign3A_177 = arith.constant 0 : i32
        %sign3A_178 = arith.cmpi sgt, %jit3A_170, %sign3A_177 : i32
        %sign3A_179 = arith.extui %sign3A_178 : i1 to i32
        %sign3A_180 = arith.constant 0 : i32
        %sign3A_181 = arith.cmpi slt, %jit3A_170, %sign3A_180 : i32
        %sign3A_182 = arith.extui %sign3A_181 : i1 to i32
        %sign3A_183 = arith.subi %sign3A_179, %sign3A_182 : i32
        %ne3A_184 = arith.cmpi ne, %sign3A_176, %sign3A_183 : i32
        %rem3A = arith.remsi %while3A_165, %jit3A_170 : i32
        %ne3A_185 = arith.constant 0 : i32
        %ne3A_186 = arith.cmpi ne, %rem3A, %ne3A_185 : i32
        %and3A = arith.andi %ne3A_184, %ne3A_186 : i1
        %sub3A_187 = arith.constant 1 : i32
        %sub3A_188 = arith.subi %div3A, %sub3A_187 : i32
        %select_n3A_189 = arith.select %and3A, %sub3A_188, %div3A : i32
        %eq3A = vector.broadcast %select_n3A_189 : i32 to vector<16xi32>
        %eq3A_190 = arith.cmpi eq, %convert_element_type3A_35, %eq3A : vector<16xi32>
        %get3A_191 = arith.constant 0 : i32
        %get3A_192 = arith.index_cast %get3A_191 : i32 to index
        %get3A_193 = arith.index_cast %mul3A_169 : i32 to index
        %get3A_194 = tpu.vector_load %arg6[%get3A_192, %get3A_193] {strides = array<i32>} : memref<16x256xf32, #tpu.memory_space<vmem>>, vector<16xf32>,
        %get3A_195 = arith.constant 1 : i32
        %get3A_196 = arith.index_cast %get3A_195 : i32 to index
        %get3A_197 = arith.index_cast %mul3A_169 : i32 to index
        %get3A_198 = tpu.vector_load %arg6[%get3A_196, %get3A_197] {strides = array<i32>} : memref<16x256xf32, #tpu.memory_space<vmem>>, vector<16xf32>,
        %get3A_199 = arith.constant 2 : i32
        %get3A_200 = arith.index_cast %get3A_199 : i32 to index
        %get3A_201 = arith.index_cast %mul3A_169 : i32 to index
        %get3A_202 = tpu.vector_load %arg6[%get3A_200, %get3A_201] {strides = array<i32>} : memref<16x256xf32, #tpu.memory_space<vmem>>, vector<16xf32>,
        %get3A_203 = arith.constant 3 : i32
        %get3A_204 = arith.index_cast %get3A_203 : i32 to index
        %get3A_205 = arith.index_cast %mul3A_169 : i32 to index
        %get3A_206 = tpu.vector_load %arg6[%get3A_204, %get3A_205] {strides = array<i32>} : memref<16x256xf32, #tpu.memory_space<vmem>>, vector<16xf32>,
        %get3A_207 = arith.constant 4 : i32
        %get3A_208 = arith.index_cast %get3A_207 : i32 to index
        %get3A_209 = arith.index_cast %mul3A_169 : i32 to index
        %get3A_210 = tpu.vector_load %arg6[%get3A_208, %get3A_209] {strides = array<i32>} : memref<16x256xf32, #tpu.memory_space<vmem>>, vector<16xf32>,
        %get3A_211 = arith.constant 5 : i32
        %get3A_212 = arith.index_cast %get3A_211 : i32 to index
        %get3A_213 = arith.index_cast %mul3A_169 : i32 to index
        %get3A_214 = tpu.vector_load %arg6[%get3A_212, %get3A_213] {strides = array<i32>} : memref<16x256xf32, #tpu.memory_space<vmem>>, vector<16xf32>,
        %get3A_215 = arith.constant 6 : i32
        %get3A_216 = arith.index_cast %get3A_215 : i32 to index
        %get3A_217 = arith.index_cast %mul3A_169 : i32 to index
        %get3A_218 = tpu.vector_load %arg6[%get3A_216, %get3A_217] {strides = array<i32>} : memref<16x256xf32, #tpu.memory_space<vmem>>, vector<16xf32>,
        %get3A_219 = arith.constant 7 : i32
        %get3A_220 = arith.index_cast %get3A_219 : i32 to index
        %get3A_221 = arith.index_cast %mul3A_169 : i32 to index
        %get3A_222 = tpu.vector_load %arg6[%get3A_220, %get3A_221] {strides = array<i32>} : memref<16x256xf32, #tpu.memory_space<vmem>>, vector<16xf32>,
        %get3A_223 = arith.constant 8 : i32
        %get3A_224 = arith.index_cast %get3A_223 : i32 to index
        %get3A_225 = arith.index_cast %mul3A_169 : i32 to index
        %get3A_226 = tpu.vector_load %arg6[%get3A_224, %get3A_225] {strides = array<i32>} : memref<16x256xf32, #tpu.memory_space<vmem>>, vector<16xf32>,
        %get3A_227 = arith.constant 9 : i32
        %get3A_228 = arith.index_cast %get3A_227 : i32 to index
        %get3A_229 = arith.index_cast %mul3A_169 : i32 to index
        %get3A_230 = tpu.vector_load %arg6[%get3A_228, %get3A_229] {strides = array<i32>} : memref<16x256xf32, #tpu.memory_space<vmem>>, vector<16xf32>,
        %get3A_231 = arith.constant 10 : i32
        %get3A_232 = arith.index_cast %get3A_231 : i32 to index
        %get3A_233 = arith.index_cast %mul3A_169 : i32 to index
        %get3A_234 = tpu.vector_load %arg6[%get3A_232, %get3A_233] {strides = array<i32>} : memref<16x256xf32, #tpu.memory_space<vmem>>, vector<16xf32>,
        %scan3A = arith.constant 0 : i32
        %scan3A_235 = arith.constant 16 : i32
        %scan3A_236 = arith.addi %scan3A, %scan3A_235 : i32
        %scan3A_237 = arith.constant 1 : i32
        %scan3A_238:2 = scf.for %scan3A_240 = %scan3A to %scan3A_236 step %scan3A_237 iter_args(%scan3A_241 = %while3A_166, %scan3A_242 = %while3A_167) -> (vector<16xi32>, vector<16xi32>)  : i32 {
          %broadcast_in_dim3A_243 = vector.broadcast %scan3A_240 : i32 to vector<16xi32>
          %reshape3A = vector.shape_cast %broadcast_in_dim3A_243 : vector<16xi32> to vector<16x1xi32>
          %gather3A_244 = vector.shape_cast %reshape3A : vector<16x1xi32> to vector<16xi32>
          %gather3A_245 = tpu.dynamic_gather %get3A_194[%gather3A_244] in [0] : vector<16xf32>, vector<16xi32> -> vector<16xf32>
          %sub3A_246 = arith.subf %get3A_39, %gather3A_245 : vector<16xf32>
          %broadcast_in_dim3A_247 = vector.broadcast %scan3A_240 : i32 to vector<16xi32>
          %reshape3A_248 = vector.shape_cast %broadcast_in_dim3A_247 : vector<16xi32> to vector<16x1xi32>
          %gather3A_249 = vector.shape_cast %reshape3A_248 : vector<16x1xi32> to vector<16xi32>
          %gather3A_250 = tpu.dynamic_gather %get3A_198[%gather3A_249] in [0] : vector<16xf32>, vector<16xi32> -> vector<16xf32>
          %sub3A_251 = arith.subf %get3A_43, %gather3A_250 : vector<16xf32>
          %broadcast_in_dim3A_252 = vector.broadcast %scan3A_240 : i32 to vector<16xi32>
          %reshape3A_253 = vector.shape_cast %broadcast_in_dim3A_252 : vector<16xi32> to vector<16x1xi32>
          %gather3A_254 = vector.shape_cast %reshape3A_253 : vector<16x1xi32> to vector<16xi32>
          %gather3A_255 = tpu.dynamic_gather %get3A_202[%gather3A_254] in [0] : vector<16xf32>, vector<16xi32> -> vector<16xf32>
          %sub3A_256 = arith.subf %get3A_47, %gather3A_255 : vector<16xf32>
          %broadcast_in_dim3A_257 = vector.broadcast %scan3A_240 : i32 to vector<16xi32>
          %reshape3A_258 = vector.shape_cast %broadcast_in_dim3A_257 : vector<16xi32> to vector<16x1xi32>
          %gather3A_259 = vector.shape_cast %reshape3A_258 : vector<16x1xi32> to vector<16xi32>
          %gather3A_260 = tpu.dynamic_gather %get3A_206[%gather3A_259] in [0] : vector<16xf32>, vector<16xi32> -> vector<16xf32>
          %broadcast_in_dim3A_261 = vector.broadcast %scan3A_240 : i32 to vector<16xi32>
          %reshape3A_262 = vector.shape_cast %broadcast_in_dim3A_261 : vector<16xi32> to vector<16x1xi32>
          %gather3A_263 = vector.shape_cast %reshape3A_262 : vector<16x1xi32> to vector<16xi32>
          %gather3A_264 = tpu.dynamic_gather %get3A_210[%gather3A_263] in [0] : vector<16xf32>, vector<16xi32> -> vector<16xf32>
          %mul3A_265 = arith.mulf %sub3A_246, %gather3A_260 : vector<16xf32>
          %mul3A_266 = arith.mulf %sub3A_251, %gather3A_264 : vector<16xf32>
          %add3A_267 = arith.addf %mul3A_265, %mul3A_266 : vector<16xf32>
          %neg3A = arith.constant 0.000000e+00 : f32
          %neg3A_268 = vector.broadcast %neg3A : f32 to vector<16xf32>
          %neg3A_269 = arith.subf %neg3A_268, %sub3A_246 : vector<16xf32>
          %mul3A_270 = arith.mulf %neg3A_269, %gather3A_264 : vector<16xf32>
          %mul3A_271 = arith.mulf %sub3A_251, %gather3A_260 : vector<16xf32>
          %add3A_272 = arith.addf %mul3A_270, %mul3A_271 : vector<16xf32>
          %abs3A = math.absf %add3A_267 : vector<16xf32>
          %abs3A_273 = math.absf %add3A_272 : vector<16xf32>
          %abs3A_274 = math.absf %sub3A_256 : vector<16xf32>
          %broadcast_in_dim3A_275 = vector.broadcast %scan3A_240 : i32 to vector<16xi32>
          %reshape3A_276 = vector.shape_cast %broadcast_in_dim3A_275 : vector<16xi32> to vector<16x1xi32>
          %gather3A_277 = vector.shape_cast %reshape3A_276 : vector<16x1xi32> to vector<16xi32>
          %gather3A_278 = tpu.dynamic_gather %get3A_214[%gather3A_277] in [0] : vector<16xf32>, vector<16xi32> -> vector<16xf32>
          %le3A = arith.cmpf ole, %abs3A, %gather3A_278 : vector<16xf32>
          %broadcast_in_dim3A_279 = vector.broadcast %scan3A_240 : i32 to vector<16xi32>
          %reshape3A_280 = vector.shape_cast %broadcast_in_dim3A_279 : vector<16xi32> to vector<16x1xi32>
          %gather3A_281 = vector.shape_cast %reshape3A_280 : vector<16x1xi32> to vector<16xi32>
          %gather3A_282 = tpu.dynamic_gather %get3A_218[%gather3A_281] in [0] : vector<16xf32>, vector<16xi32> -> vector<16xf32>
          %le3A_283 = arith.cmpf ole, %abs3A_273, %gather3A_282 : vector<16xf32>
          %and3A_284 = arith.andi %le3A, %le3A_283 : vector<16xi1>
          %broadcast_in_dim3A_285 = vector.broadcast %scan3A_240 : i32 to vector<16xi32>
          %reshape3A_286 = vector.shape_cast %broadcast_in_dim3A_285 : vector<16xi32> to vector<16x1xi32>
          %gather3A_287 = vector.shape_cast %reshape3A_286 : vector<16x1xi32> to vector<16xi32>
          %gather3A_288 = tpu.dynamic_gather %get3A_222[%gather3A_287] in [0] : vector<16xf32>, vector<16xi32> -> vector<16xf32>
          %le3A_289 = arith.cmpf ole, %abs3A_274, %gather3A_288 : vector<16xf32>
          %and3A_290 = arith.andi %and3A_284, %le3A_289 : vector<16xi1>
          %and3A_291 = arith.andi %and3A_290, %eq3A_190 : vector<16xi1>
          %broadcast_in_dim3A_292 = vector.broadcast %scan3A_240 : i32 to vector<16xi32>
          %reshape3A_293 = vector.shape_cast %broadcast_in_dim3A_292 : vector<16xi32> to vector<16x1xi32>
          %gather3A_294 = vector.shape_cast %reshape3A_293 : vector<16x1xi32> to vector<16xi32>
          %gather3A_295 = tpu.dynamic_gather %get3A_226[%gather3A_294] in [0] : vector<16xf32>, vector<16xi32> -> vector<16xf32>
          %le3A_296 = arith.cmpf ole, %abs3A, %gather3A_295 : vector<16xf32>
          %broadcast_in_dim3A_297 = vector.broadcast %scan3A_240 : i32 to vector<16xi32>
          %reshape3A_298 = vector.shape_cast %broadcast_in_dim3A_297 : vector<16xi32> to vector<16x1xi32>
          %gather3A_299 = vector.shape_cast %reshape3A_298 : vector<16x1xi32> to vector<16xi32>
          %gather3A_300 = tpu.dynamic_gather %get3A_230[%gather3A_299] in [0] : vector<16xf32>, vector<16xi32> -> vector<16xf32>
          %le3A_301 = arith.cmpf ole, %abs3A_273, %gather3A_300 : vector<16xf32>
          %and3A_302 = arith.andi %le3A_296, %le3A_301 : vector<16xi1>
          %broadcast_in_dim3A_303 = vector.broadcast %scan3A_240 : i32 to vector<16xi32>
          %reshape3A_304 = vector.shape_cast %broadcast_in_dim3A_303 : vector<16xi32> to vector<16x1xi32>
          %gather3A_305 = vector.shape_cast %reshape3A_304 : vector<16x1xi32> to vector<16xi32>
          %gather3A_306 = tpu.dynamic_gather %get3A_234[%gather3A_305] in [0] : vector<16xf32>, vector<16xi32> -> vector<16xf32>
          %le3A_307 = arith.cmpf ole, %abs3A_274, %gather3A_306 : vector<16xf32>
          %and3A_308 = arith.andi %and3A_302, %le3A_307 : vector<16xi1>
          %and3A_309 = arith.andi %and3A_308, %eq3A_190 : vector<16xi1>
          %add3A_310 = arith.addi %mul3A_169, %scan3A_240 : i32
          %broadcast_in_dim3A_311 = vector.broadcast %add3A_310 : i32 to vector<16xi32>
          %broadcast_in_dim3A_312 = vector.broadcast %while3A_18 : i32 to vector<16xi32>
          %select_n3A_313 = arith.select %and3A_291, %broadcast_in_dim3A_311, %broadcast_in_dim3A_312 : vector<16xi1>, vector<16xi32>
          %min3A_314 = arith.minsi %scan3A_241, %select_n3A_313 : vector<16xi32>
          %jit3A_315 = arith.constant 1 : i32
          %broadcast_in_dim3A_316 = vector.broadcast %jit3A_315 : i32 to vector<16xi32>
          %select_n3A_317 = arith.select %and3A_309, %broadcast_in_dim3A_316, %scan3A_242 : vector<16xi1>, vector<16xi32>
          scf.yield %min3A_314, %select_n3A_317 : vector<16xi32>, vector<16xi32>
        }
        %scan3A_239 = arith.constant 16 : i32
        scf.yield %scan3A_238#0, %scan3A_238#1 : vector<16xi32>, vector<16xi32>
      }
      %lt3A_68 = vector.broadcast %while3A_18 : i32 to vector<16xi32>
      %lt3A_69 = arith.cmpi slt, %while3A_67#0, %lt3A_68 : vector<16xi32>
      %ne3A = arith.constant 0 : i32
      %ne3A_70 = vector.broadcast %ne3A : i32 to vector<16xi32>
      %ne3A_71 = arith.cmpi ne, %while3A_67#1, %ne3A_70 : vector<16xi32>
      %xor3A = arith.xori %lt3A_69, %ne3A_71 : vector<16xi1>
      %jit3A_72 = arith.constant 1 : i32
      %jit3A_73 = arith.constant 0 : i32
      %broadcast_in_dim3A_74 = vector.broadcast %jit3A_72 : i32 to vector<16xi32>
      %broadcast_in_dim3A_75 = vector.broadcast %jit3A_73 : i32 to vector<16xi32>
      %select_n3A_76 = arith.select %lt3A_69, %broadcast_in_dim3A_74, %broadcast_in_dim3A_75 : vector<16xi1>, vector<16xi32>
      %jit3A_77 = arith.constant -1 : i32
      %broadcast_in_dim3A_78 = vector.broadcast %jit3A_77 : i32 to vector<16xi32>
      %select_n3A_79 = arith.select %xor3A, %broadcast_in_dim3A_78, %select_n3A_76 : vector<16xi1>, vector<16xi32>
      %swap3A = arith.index_cast %mul3A_33 : i32 to index
      %swap3A_80 = tpu.vector_load %arg8[%swap3A] {strides = array<i32>} : memref<448xi32, #tpu.memory_space<vmem>>, vector<16xi32>,
      tpu.vector_store %arg8[%swap3A], %select_n3A_79 {strides = array<i32>} : memref<448xi32, #tpu.memory_space<vmem>>, vector<16xi32>,
      %jit3A_81 = arith.constant 0 : i32
      %broadcast_in_dim3A_82 = vector.broadcast %jit3A_81 : i32 to vector<16xi32>
      %select_n3A_83 = arith.select %lt3A_69, %while3A_67#0, %broadcast_in_dim3A_82 : vector<16xi1>, vector<16xi32>
      %broadcast_in_dim3A_84 = arith.constant 0 : i32
      %broadcast_in_dim3A_85 = vector.broadcast %broadcast_in_dim3A_84 : i32 to vector<16xi32>
      %gather3A = tpu.vector_load_idx %arg6[%broadcast_in_dim3A_85, %select_n3A_83] : memref<16x256xf32, #tpu.memory_space<vmem>>[vector<16xi32>, vector<16xi32>], vector<16xf32>,
      %sub3A = arith.subf %gather3A, %get3A_39 : vector<16xf32>
      %jit3A_86 = arith.constant 0.000000e+00 : f32
      %broadcast_in_dim3A_87 = vector.broadcast %jit3A_86 : f32 to vector<16xf32>
      %select_n3A_88 = arith.select %lt3A_69, %sub3A, %broadcast_in_dim3A_87 : vector<16xi1>, vector<16xf32>
      %add3A_89 = vector.broadcast %mul3A_33 : i32 to vector<16xi32>
      %add3A_90 = arith.addi %add3A_89, %iota3A : vector<16xi32>
      %broadcast_in_dim3A_91 = arith.constant 0 : i32
      %broadcast_in_dim3A_92 = vector.broadcast %broadcast_in_dim3A_91 : i32 to vector<16xi32>
      tpu.vector_store_idx %arg9[%add3A_90, %broadcast_in_dim3A_92], %select_n3A_88 : memref<448x8xf32, #tpu.memory_space<vmem>>[vector<16xi32>, vector<16xi32>], vector<16xf32>,
      %broadcast_in_dim3A_93 = arith.constant 1 : i32
      %broadcast_in_dim3A_94 = vector.broadcast %broadcast_in_dim3A_93 : i32 to vector<16xi32>
      %gather3A_95 = tpu.vector_load_idx %arg6[%broadcast_in_dim3A_94, %select_n3A_83] : memref<16x256xf32, #tpu.memory_space<vmem>>[vector<16xi32>, vector<16xi32>], vector<16xf32>,
      %sub3A_96 = arith.subf %gather3A_95, %get3A_43 : vector<16xf32>
      %jit3A_97 = arith.constant 0.000000e+00 : f32
      %broadcast_in_dim3A_98 = vector.broadcast %jit3A_97 : f32 to vector<16xf32>
      %select_n3A_99 = arith.select %lt3A_69, %sub3A_96, %broadcast_in_dim3A_98 : vector<16xi1>, vector<16xf32>
      %add3A_100 = vector.broadcast %mul3A_33 : i32 to vector<16xi32>
      %add3A_101 = arith.addi %add3A_100, %iota3A : vector<16xi32>
      %broadcast_in_dim3A_102 = arith.constant 1 : i32
      %broadcast_in_dim3A_103 = vector.broadcast %broadcast_in_dim3A_102 : i32 to vector<16xi32>
      tpu.vector_store_idx %arg9[%add3A_101, %broadcast_in_dim3A_103], %select_n3A_99 : memref<448x8xf32, #tpu.memory_space<vmem>>[vector<16xi32>, vector<16xi32>], vector<16xf32>,
      %broadcast_in_dim3A_104 = arith.constant 2 : i32
      %broadcast_in_dim3A_105 = vector.broadcast %broadcast_in_dim3A_104 : i32 to vector<16xi32>
      %gather3A_106 = tpu.vector_load_idx %arg6[%broadcast_in_dim3A_105, %select_n3A_83] : memref<16x256xf32, #tpu.memory_space<vmem>>[vector<16xi32>, vector<16xi32>], vector<16xf32>,
      %sub3A_107 = arith.subf %gather3A_106, %get3A_47 : vector<16xf32>
      %jit3A_108 = arith.constant 0.000000e+00 : f32
      %broadcast_in_dim3A_109 = vector.broadcast %jit3A_108 : f32 to vector<16xf32>
      %select_n3A_110 = arith.select %lt3A_69, %sub3A_107, %broadcast_in_dim3A_109 : vector<16xi1>, vector<16xf32>
      %add3A_111 = vector.broadcast %mul3A_33 : i32 to vector<16xi32>
      %add3A_112 = arith.addi %add3A_111, %iota3A : vector<16xi32>
      %broadcast_in_dim3A_113 = arith.constant 2 : i32
      %broadcast_in_dim3A_114 = vector.broadcast %broadcast_in_dim3A_113 : i32 to vector<16xi32>
      tpu.vector_store_idx %arg9[%add3A_112, %broadcast_in_dim3A_114], %select_n3A_110 : memref<448x8xf32, #tpu.memory_space<vmem>>[vector<16xi32>, vector<16xi32>], vector<16xf32>,
      %broadcast_in_dim3A_115 = arith.constant 11 : i32
      %broadcast_in_dim3A_116 = vector.broadcast %broadcast_in_dim3A_115 : i32 to vector<16xi32>
      %gather3A_117 = tpu.vector_load_idx %arg6[%broadcast_in_dim3A_116, %select_n3A_83] : memref<16x256xf32, #tpu.memory_space<vmem>>[vector<16xi32>, vector<16xi32>], vector<16xf32>,
      %jit3A_118 = arith.constant 0.000000e+00 : f32
      %broadcast_in_dim3A_119 = vector.broadcast %jit3A_118 : f32 to vector<16xf32>
      %select_n3A_120 = arith.select %lt3A_69, %gather3A_117, %broadcast_in_dim3A_119 : vector<16xi1>, vector<16xf32>
      %add3A_121 = vector.broadcast %mul3A_33 : i32 to vector<16xi32>
      %add3A_122 = arith.addi %add3A_121, %iota3A : vector<16xi32>
      %broadcast_in_dim3A_123 = arith.constant 3 : i32
      %broadcast_in_dim3A_124 = vector.broadcast %broadcast_in_dim3A_123 : i32 to vector<16xi32>
      tpu.vector_store_idx %arg9[%add3A_122, %broadcast_in_dim3A_124], %select_n3A_120 : memref<448x8xf32, #tpu.memory_space<vmem>>[vector<16xi32>, vector<16xi32>], vector<16xf32>,
      %broadcast_in_dim3A_125 = arith.constant 12 : i32
      %broadcast_in_dim3A_126 = vector.broadcast %broadcast_in_dim3A_125 : i32 to vector<16xi32>
      %gather3A_127 = tpu.vector_load_idx %arg6[%broadcast_in_dim3A_126, %select_n3A_83] : memref<16x256xf32, #tpu.memory_space<vmem>>[vector<16xi32>, vector<16xi32>], vector<16xf32>,
      %jit3A_128 = arith.constant 0.000000e+00 : f32
      %broadcast_in_dim3A_129 = vector.broadcast %jit3A_128 : f32 to vector<16xf32>
      %select_n3A_130 = arith.select %lt3A_69, %gather3A_127, %broadcast_in_dim3A_129 : vector<16xi1>, vector<16xf32>
      %add3A_131 = vector.broadcast %mul3A_33 : i32 to vector<16xi32>
      %add3A_132 = arith.addi %add3A_131, %iota3A : vector<16xi32>
      %broadcast_in_dim3A_133 = arith.constant 4 : i32
      %broadcast_in_dim3A_134 = vector.broadcast %broadcast_in_dim3A_133 : i32 to vector<16xi32>
      tpu.vector_store_idx %arg9[%add3A_132, %broadcast_in_dim3A_134], %select_n3A_130 : memref<448x8xf32, #tpu.memory_space<vmem>>[vector<16xi32>, vector<16xi32>], vector<16xf32>,
      %broadcast_in_dim3A_135 = arith.constant 13 : i32
      %broadcast_in_dim3A_136 = vector.broadcast %broadcast_in_dim3A_135 : i32 to vector<16xi32>
      %gather3A_137 = tpu.vector_load_idx %arg6[%broadcast_in_dim3A_136, %select_n3A_83] : memref<16x256xf32, #tpu.memory_space<vmem>>[vector<16xi32>, vector<16xi32>], vector<16xf32>,
      %jit3A_138 = arith.constant 0.000000e+00 : f32
      %broadcast_in_dim3A_139 = vector.broadcast %jit3A_138 : f32 to vector<16xf32>
      %select_n3A_140 = arith.select %lt3A_69, %gather3A_137, %broadcast_in_dim3A_139 : vector<16xi1>, vector<16xf32>
      %add3A_141 = vector.broadcast %mul3A_33 : i32 to vector<16xi32>
      %add3A_142 = arith.addi %add3A_141, %iota3A : vector<16xi32>
      %broadcast_in_dim3A_143 = arith.constant 5 : i32
      %broadcast_in_dim3A_144 = vector.broadcast %broadcast_in_dim3A_143 : i32 to vector<16xi32>
      tpu.vector_store_idx %arg9[%add3A_142, %broadcast_in_dim3A_144], %select_n3A_140 : memref<448x8xf32, #tpu.memory_space<vmem>>[vector<16xi32>, vector<16xi32>], vector<16xf32>,
      %broadcast_in_dim3A_145 = arith.constant 3 : i32
      %broadcast_in_dim3A_146 = vector.broadcast %broadcast_in_dim3A_145 : i32 to vector<16xi32>
      %gather3A_147 = tpu.vector_load_idx %arg6[%broadcast_in_dim3A_146, %select_n3A_83] : memref<16x256xf32, #tpu.memory_space<vmem>>[vector<16xi32>, vector<16xi32>], vector<16xf32>,
      %jit3A_148 = arith.constant 0.000000e+00 : f32
      %broadcast_in_dim3A_149 = vector.broadcast %jit3A_148 : f32 to vector<16xf32>
      %select_n3A_150 = arith.select %lt3A_69, %gather3A_147, %broadcast_in_dim3A_149 : vector<16xi1>, vector<16xf32>
      %add3A_151 = vector.broadcast %mul3A_33 : i32 to vector<16xi32>
      %add3A_152 = arith.addi %add3A_151, %iota3A : vector<16xi32>
      %broadcast_in_dim3A_153 = arith.constant 6 : i32
      %broadcast_in_dim3A_154 = vector.broadcast %broadcast_in_dim3A_153 : i32 to vector<16xi32>
      tpu.vector_store_idx %arg9[%add3A_152, %broadcast_in_dim3A_154], %select_n3A_150 : memref<448x8xf32, #tpu.memory_space<vmem>>[vector<16xi32>, vector<16xi32>], vector<16xf32>,
      %broadcast_in_dim3A_155 = arith.constant 4 : i32
      %broadcast_in_dim3A_156 = vector.broadcast %broadcast_in_dim3A_155 : i32 to vector<16xi32>
      %gather3A_157 = tpu.vector_load_idx %arg6[%broadcast_in_dim3A_156, %select_n3A_83] : memref<16x256xf32, #tpu.memory_space<vmem>>[vector<16xi32>, vector<16xi32>], vector<16xf32>,
      %jit3A_158 = arith.constant 0.000000e+00 : f32
      %broadcast_in_dim3A_159 = vector.broadcast %jit3A_158 : f32 to vector<16xf32>
      %select_n3A_160 = arith.select %lt3A_69, %gather3A_157, %broadcast_in_dim3A_159 : vector<16xi1>, vector<16xf32>
      %add3A_161 = vector.broadcast %mul3A_33 : i32 to vector<16xi32>
      %add3A_162 = arith.addi %add3A_161, %iota3A : vector<16xi32>
      %broadcast_in_dim3A_163 = arith.constant 7 : i32
      %broadcast_in_dim3A_164 = vector.broadcast %broadcast_in_dim3A_163 : i32 to vector<16xi32>
      tpu.vector_store_idx %arg9[%add3A_162, %broadcast_in_dim3A_164], %select_n3A_160 : memref<448x8xf32, #tpu.memory_space<vmem>>[vector<16xi32>, vector<16xi32>], vector<16xf32>,
    }
    "tpu.region"() ({
      %run_scoped3A = tpu.sem_alloc : memref<!tpu.dma_semaphore, #tpu.memory_space<semaphore_mem>>
      %dma_start3A = arith.constant 0 : i32
      %dma_start3A_31 = tpu.memref_slice %arg8[%dma_start3A] : memref<448xi32, #tpu.memory_space<vmem>> -> memref<432xi32, #tpu.memory_space<vmem>>
      %dma_start3A_32 = tpu.memref_slice %arg4[%add3A_7] : memref<14000xi32, #tpu.memory_space<hbm>> -> memref<432xi32, #tpu.memory_space<hbm>>
      %dma_start3A_33 = tpu.memref_slice %arg4[%add3A_7] : memref<14000xi32, #tpu.memory_space<hbm>> -> memref<432xi32, #tpu.memory_space<hbm>>
      %dma_start3A_34 = arith.constant 0 : i32
      %dma_start3A_35 = tpu.memref_slice %arg8[%dma_start3A_34] : memref<448xi32, #tpu.memory_space<vmem>> -> memref<432xi32, #tpu.memory_space<vmem>>
      tpu.enqueue_dma source(%dma_start3A_35 : memref<432xi32, #tpu.memory_space<vmem>>) target(%dma_start3A_33 : memref<432xi32, #tpu.memory_space<hbm>>) target_semaphore(%run_scoped3A : memref<!tpu.dma_semaphore, #tpu.memory_space<semaphore_mem>>)
      %dma_wait3A = arith.constant 0 : i32
      %dma_wait3A_36 = tpu.memref_slice %arg8[%dma_wait3A] : memref<448xi32, #tpu.memory_space<vmem>> -> memref<432xi32, #tpu.memory_space<vmem>>
      %dma_wait3A_37 = tpu.memref_slice %arg4[%add3A_7] : memref<14000xi32, #tpu.memory_space<hbm>> -> memref<432xi32, #tpu.memory_space<hbm>>
      %dma_wait3A_38 = tpu.memref_slice %arg4[%add3A_7] : memref<14000xi32, #tpu.memory_space<hbm>> -> memref<432xi32, #tpu.memory_space<hbm>>
      %dma_wait3A_39 = arith.constant 0 : i32
      %dma_wait3A_40 = tpu.memref_slice %arg8[%dma_wait3A_39] : memref<448xi32, #tpu.memory_space<vmem>> -> memref<432xi32, #tpu.memory_space<vmem>>
      tpu.wait_dma2 semaphore(%run_scoped3A : memref<!tpu.dma_semaphore, #tpu.memory_space<semaphore_mem>>) src(%dma_wait3A_40 : memref<432xi32, #tpu.memory_space<vmem>>) dst(%dma_wait3A_38 : memref<432xi32, #tpu.memory_space<hbm>>)
      tpu.yield
    }) : () -> ()
    "tpu.region"() ({
      %run_scoped3A = tpu.sem_alloc : memref<!tpu.dma_semaphore, #tpu.memory_space<semaphore_mem>>
      %dma_start3A = arith.constant 0 : i32
      %dma_start3A_31 = arith.constant 0 : i32
      %dma_start3A_32 = tpu.memref_slice %arg9[%dma_start3A, %dma_start3A_31] : memref<448x8xf32, #tpu.memory_space<vmem>> -> memref<432x8xf32, #tpu.memory_space<vmem>>
      %dma_start3A_33 = arith.constant 0 : i32
      %dma_start3A_34 = tpu.memref_slice %arg5[%add3A_7, %dma_start3A_33] : memref<14000x8xf32, #tpu.memory_space<hbm>> -> memref<432x8xf32, #tpu.memory_space<hbm>>
      %dma_start3A_35 = arith.constant 0 : i32
      %dma_start3A_36 = tpu.memref_slice %arg5[%add3A_7, %dma_start3A_35] : memref<14000x8xf32, #tpu.memory_space<hbm>> -> memref<432x8xf32, #tpu.memory_space<hbm>>
      %dma_start3A_37 = arith.constant 0 : i32
      %dma_start3A_38 = arith.constant 0 : i32
      %dma_start3A_39 = tpu.memref_slice %arg9[%dma_start3A_37, %dma_start3A_38] : memref<448x8xf32, #tpu.memory_space<vmem>> -> memref<432x8xf32, #tpu.memory_space<vmem>>
      tpu.enqueue_dma source(%dma_start3A_39 : memref<432x8xf32, #tpu.memory_space<vmem>>) target(%dma_start3A_36 : memref<432x8xf32, #tpu.memory_space<hbm>>) target_semaphore(%run_scoped3A : memref<!tpu.dma_semaphore, #tpu.memory_space<semaphore_mem>>)
      %dma_wait3A = arith.constant 0 : i32
      %dma_wait3A_40 = arith.constant 0 : i32
      %dma_wait3A_41 = tpu.memref_slice %arg9[%dma_wait3A, %dma_wait3A_40] : memref<448x8xf32, #tpu.memory_space<vmem>> -> memref<432x8xf32, #tpu.memory_space<vmem>>
      %dma_wait3A_42 = arith.constant 0 : i32
      %dma_wait3A_43 = tpu.memref_slice %arg5[%add3A_7, %dma_wait3A_42] : memref<14000x8xf32, #tpu.memory_space<hbm>> -> memref<432x8xf32, #tpu.memory_space<hbm>>
      %dma_wait3A_44 = arith.constant 0 : i32
      %dma_wait3A_45 = tpu.memref_slice %arg5[%add3A_7, %dma_wait3A_44] : memref<14000x8xf32, #tpu.memory_space<hbm>> -> memref<432x8xf32, #tpu.memory_space<hbm>>
      %dma_wait3A_46 = arith.constant 0 : i32
      %dma_wait3A_47 = arith.constant 0 : i32
      %dma_wait3A_48 = tpu.memref_slice %arg9[%dma_wait3A_46, %dma_wait3A_47] : memref<448x8xf32, #tpu.memory_space<vmem>> -> memref<432x8xf32, #tpu.memory_space<vmem>>
      tpu.wait_dma2 semaphore(%run_scoped3A : memref<!tpu.dma_semaphore, #tpu.memory_space<semaphore_mem>>) src(%dma_wait3A_48 : memref<432x8xf32, #tpu.memory_space<vmem>>) dst(%dma_wait3A_45 : memref<432x8xf32, #tpu.memory_space<hbm>>)
      tpu.yield
    }) : () -> ()
    %convert_element_type3A_28 = arith.extui %lt3A_1 : i1 to i32
    %cond3A_29 = arith.constant 0 : i32
    %cond3A_30 = arith.cmpi ne, %convert_element_type3A_28, %cond3A_29 : i32
    scf.if %cond3A_30 {
      %add3A_31 = arith.constant 432 : i32
      %add3A_32 = arith.addi %add3A_7, %add3A_31 : i32
      "tpu.region"() ({
        %run_scoped3A = tpu.sem_alloc : memref<!tpu.dma_semaphore, #tpu.memory_space<semaphore_mem>>
        %dma_start3A = arith.constant 432 : i32
        %dma_start3A_35 = tpu.memref_slice %arg8[%dma_start3A] : memref<448xi32, #tpu.memory_space<vmem>> -> memref<16xi32, #tpu.memory_space<vmem>>
        %dma_start3A_36 = tpu.memref_slice %arg4[%add3A_32] : memref<14000xi32, #tpu.memory_space<hbm>> -> memref<16xi32, #tpu.memory_space<hbm>>
        %dma_start3A_37 = tpu.memref_slice %arg4[%add3A_32] : memref<14000xi32, #tpu.memory_space<hbm>> -> memref<16xi32, #tpu.memory_space<hbm>>
        %dma_start3A_38 = arith.constant 432 : i32
        %dma_start3A_39 = tpu.memref_slice %arg8[%dma_start3A_38] : memref<448xi32, #tpu.memory_space<vmem>> -> memref<16xi32, #tpu.memory_space<vmem>>
        tpu.enqueue_dma source(%dma_start3A_39 : memref<16xi32, #tpu.memory_space<vmem>>) target(%dma_start3A_37 : memref<16xi32, #tpu.memory_space<hbm>>) target_semaphore(%run_scoped3A : memref<!tpu.dma_semaphore, #tpu.memory_space<semaphore_mem>>)
        %dma_wait3A = arith.constant 432 : i32
        %dma_wait3A_40 = tpu.memref_slice %arg8[%dma_wait3A] : memref<448xi32, #tpu.memory_space<vmem>> -> memref<16xi32, #tpu.memory_space<vmem>>
        %dma_wait3A_41 = tpu.memref_slice %arg4[%add3A_32] : memref<14000xi32, #tpu.memory_space<hbm>> -> memref<16xi32, #tpu.memory_space<hbm>>
        %dma_wait3A_42 = tpu.memref_slice %arg4[%add3A_32] : memref<14000xi32, #tpu.memory_space<hbm>> -> memref<16xi32, #tpu.memory_space<hbm>>
        %dma_wait3A_43 = arith.constant 432 : i32
        %dma_wait3A_44 = tpu.memref_slice %arg8[%dma_wait3A_43] : memref<448xi32, #tpu.memory_space<vmem>> -> memref<16xi32, #tpu.memory_space<vmem>>
        tpu.wait_dma2 semaphore(%run_scoped3A : memref<!tpu.dma_semaphore, #tpu.memory_space<semaphore_mem>>) src(%dma_wait3A_44 : memref<16xi32, #tpu.memory_space<vmem>>) dst(%dma_wait3A_42 : memref<16xi32, #tpu.memory_space<hbm>>)
        tpu.yield
      }) : () -> ()
      %add3A_33 = arith.constant 432 : i32
      %add3A_34 = arith.addi %add3A_7, %add3A_33 : i32
      "tpu.region"() ({
        %run_scoped3A = tpu.sem_alloc : memref<!tpu.dma_semaphore, #tpu.memory_space<semaphore_mem>>
        %dma_start3A = arith.constant 432 : i32
        %dma_start3A_35 = arith.constant 0 : i32
        %dma_start3A_36 = tpu.memref_slice %arg9[%dma_start3A, %dma_start3A_35] : memref<448x8xf32, #tpu.memory_space<vmem>> -> memref<16x8xf32, #tpu.memory_space<vmem>>
        %dma_start3A_37 = arith.constant 0 : i32
        %dma_start3A_38 = tpu.memref_slice %arg5[%add3A_34, %dma_start3A_37] : memref<14000x8xf32, #tpu.memory_space<hbm>> -> memref<16x8xf32, #tpu.memory_space<hbm>>
        %dma_start3A_39 = arith.constant 0 : i32
        %dma_start3A_40 = tpu.memref_slice %arg5[%add3A_34, %dma_start3A_39] : memref<14000x8xf32, #tpu.memory_space<hbm>> -> memref<16x8xf32, #tpu.memory_space<hbm>>
        %dma_start3A_41 = arith.constant 432 : i32
        %dma_start3A_42 = arith.constant 0 : i32
        %dma_start3A_43 = tpu.memref_slice %arg9[%dma_start3A_41, %dma_start3A_42] : memref<448x8xf32, #tpu.memory_space<vmem>> -> memref<16x8xf32, #tpu.memory_space<vmem>>
        tpu.enqueue_dma source(%dma_start3A_43 : memref<16x8xf32, #tpu.memory_space<vmem>>) target(%dma_start3A_40 : memref<16x8xf32, #tpu.memory_space<hbm>>) target_semaphore(%run_scoped3A : memref<!tpu.dma_semaphore, #tpu.memory_space<semaphore_mem>>)
        %dma_wait3A = arith.constant 432 : i32
        %dma_wait3A_44 = arith.constant 0 : i32
        %dma_wait3A_45 = tpu.memref_slice %arg9[%dma_wait3A, %dma_wait3A_44] : memref<448x8xf32, #tpu.memory_space<vmem>> -> memref<16x8xf32, #tpu.memory_space<vmem>>
        %dma_wait3A_46 = arith.constant 0 : i32
        %dma_wait3A_47 = tpu.memref_slice %arg5[%add3A_34, %dma_wait3A_46] : memref<14000x8xf32, #tpu.memory_space<hbm>> -> memref<16x8xf32, #tpu.memory_space<hbm>>
        %dma_wait3A_48 = arith.constant 0 : i32
        %dma_wait3A_49 = tpu.memref_slice %arg5[%add3A_34, %dma_wait3A_48] : memref<14000x8xf32, #tpu.memory_space<hbm>> -> memref<16x8xf32, #tpu.memory_space<hbm>>
        %dma_wait3A_50 = arith.constant 432 : i32
        %dma_wait3A_51 = arith.constant 0 : i32
        %dma_wait3A_52 = tpu.memref_slice %arg9[%dma_wait3A_50, %dma_wait3A_51] : memref<448x8xf32, #tpu.memory_space<vmem>> -> memref<16x8xf32, #tpu.memory_space<vmem>>
        tpu.wait_dma2 semaphore(%run_scoped3A : memref<!tpu.dma_semaphore, #tpu.memory_space<semaphore_mem>>) src(%dma_wait3A_52 : memref<16x8xf32, #tpu.memory_space<vmem>>) dst(%dma_wait3A_49 : memref<16x8xf32, #tpu.memory_space<hbm>>)
        tpu.yield
      }) : () -> ()
    } else {
    }
    return
  }
}

module attributes {stable_mosaic.version = 14 : i64} {
  func.func @_encode_kernel(%arg0: memref<8x256xf32, #tpu.memory_space<vmem>>, %arg1: memref<8x256xf32, #tpu.memory_space<vmem>>, %arg2: memref<16x256xf32, #tpu.memory_space<vmem>>) attributes {dimension_semantics = [], scalar_prefetch = 0 : i64, scratch_operands = 0 : i64, tpu.core_type = #tpu.core_type<tc>} {
    %get3A = arith.constant 0 : index
    %get3A_0 = arith.constant 0 : index
    %get3A_1 = vector.load %arg0[%get3A, %get3A_0] : memref<8x256xf32, #tpu.memory_space<vmem>>, vector<8x256xf32>
    %get3A_2 = arith.constant 0 : index
    %get3A_3 = arith.constant 0 : index
    %get3A_4 = vector.load %arg1[%get3A_2, %get3A_3] : memref<8x256xf32, #tpu.memory_space<vmem>>, vector<8x256xf32>
    %slice3A = vector.extract_strided_slice %get3A_1 {offsets = [6, 0], sizes = [1, 256], strides = [1, 1]} : vector<8x256xf32> to vector<1x256xf32>
    %slice3A_5 = vector.extract_strided_slice %get3A_1 {offsets = [0, 0], sizes = [3, 256], strides = [1, 1]} : vector<8x256xf32> to vector<3x256xf32>
    %cos3A = math.cos %slice3A : vector<1x256xf32>
    %sin3A = math.sin %slice3A : vector<1x256xf32>
    %slice3A_6 = vector.extract_strided_slice %get3A_1 {offsets = [3, 0], sizes = [3, 256], strides = [1, 1]} : vector<8x256xf32> to vector<3x256xf32>
    %mul3A = arith.constant 5.000000e-01 : f32
    %mul3A_7 = vector.broadcast %mul3A : f32 to vector<3x256xf32>
    %mul3A_8 = arith.mulf %slice3A_6, %mul3A_7 : vector<3x256xf32>
    %slice3A_9 = vector.extract_strided_slice %get3A_4 {offsets = [3, 0], sizes = [3, 256], strides = [1, 1]} : vector<8x256xf32> to vector<3x256xf32>
    %mul3A_10 = arith.constant 5.000000e-01 : f32
    %mul3A_11 = vector.broadcast %mul3A_10 : f32 to vector<3x256xf32>
    %mul3A_12 = arith.mulf %slice3A_9, %mul3A_11 : vector<3x256xf32>
    %slice3A_13 = vector.extract_strided_slice %get3A_1 {offsets = [3, 0], sizes = [3, 256], strides = [1, 1]} : vector<8x256xf32> to vector<3x256xf32>
    %max3A = arith.constant 1.000000e-03 : f32
    %max3A_14 = vector.broadcast %max3A : f32 to vector<3x256xf32>
    %max3A_15 = arith.maximumf %slice3A_13, %max3A_14 : vector<3x256xf32>
    %log3A = math.log %max3A_15 : vector<3x256xf32>
    %broadcast_in_dim3A = arith.constant 0.000000e+00 : f32
    %broadcast_in_dim3A_16 = vector.broadcast %broadcast_in_dim3A : f32 to vector<2x256xf32>
    %concatenate3A = tpu.concatenate %slice3A_5, %cos3A, %sin3A, %mul3A_8, %mul3A_12, %log3A, %broadcast_in_dim3A_16 in 0 : vector<3x256xf32>, vector<1x256xf32>, vector<1x256xf32>, vector<3x256xf32>, vector<3x256xf32>, vector<3x256xf32>, vector<2x256xf32> -> vector<16x256xf32>
    %swap3A = arith.constant 0 : index
    %swap3A_17 = arith.constant 0 : index
    %swap3A_18 = vector.load %arg2[%swap3A, %swap3A_17] : memref<16x256xf32, #tpu.memory_space<vmem>>, vector<16x256xf32>
    tpu.vector_store %arg2[%swap3A, %swap3A_17], %concatenate3A {strides = array<i32>} : memref<16x256xf32, #tpu.memory_space<vmem>>, vector<16x256xf32>,
    return
  }
}

module attributes {stable_mosaic.version = 14 : i64} {
  func.func @_assign_kernel(%arg0: i32, %arg1: memref<2000x4xf32, #tpu.memory_space<vmem>>, %arg2: memref<8x256xf32, #tpu.memory_space<vmem>>, %arg3: memref<8x256xf32, #tpu.memory_space<vmem>>, %arg4: memref<2000x1xi32, #tpu.memory_space<vmem>>, %arg5: memref<2000x8xf32, #tpu.memory_space<vmem>>) attributes {dimension_semantics = [#tpu.dimension_semantics<arbitrary>], iteration_bounds = array<i64: 3>, scalar_prefetch = 0 : i64, scratch_operands = 0 : i64, tpu.core_type = #tpu.core_type<tc>, window_params = [{transform_indices = @transform_0, window_bounds = array<i64: 2000, 4>}, {pipeline_mode = #tpu.pipeline_mode<synchronous>, transform_indices = @transform_1, window_bounds = array<i64: 8, 256>}, {pipeline_mode = #tpu.pipeline_mode<synchronous>, transform_indices = @transform_2, window_bounds = array<i64: 8, 256>}, {transform_indices = @transform_3, window_bounds = array<i64: 2000, 1>}, {transform_indices = @transform_4, window_bounds = array<i64: 2000, 8>}]} {
    %get3A = arith.constant 0 : index
    %get3A_0 = arith.constant 0 : index
    %get3A_1 = vector.load %arg1[%get3A, %get3A_0] : memref<2000x4xf32, #tpu.memory_space<vmem>>, vector<2000x4xf32>
    %get3A_2 = arith.constant 0 : index
    %get3A_3 = arith.constant 0 : index
    %get3A_4 = vector.load %arg2[%get3A_2, %get3A_3] : memref<8x256xf32, #tpu.memory_space<vmem>>, vector<8x256xf32>
    %get3A_5 = arith.constant 0 : index
    %get3A_6 = arith.constant 0 : index
    %get3A_7 = vector.load %arg3[%get3A_5, %get3A_6] : memref<8x256xf32, #tpu.memory_space<vmem>>, vector<8x256xf32>
    %slice3A = vector.extract_strided_slice %get3A_1 {offsets = [0, 0], sizes = [2000, 1], strides = [1, 1]} : vector<2000x4xf32> to vector<2000x1xf32>
    %convert_element_type3A = arith.fptosi %slice3A : vector<2000x1xf32> to vector<2000x1xi32>
    %slice3A_8 = vector.extract_strided_slice %get3A_1 {offsets = [0, 1], sizes = [2000, 1], strides = [1, 1]} : vector<2000x4xf32> to vector<2000x1xf32>
    %slice3A_9 = vector.extract_strided_slice %get3A_1 {offsets = [0, 2], sizes = [2000, 1], strides = [1, 1]} : vector<2000x4xf32> to vector<2000x1xf32>
    %slice3A_10 = vector.extract_strided_slice %get3A_1 {offsets = [0, 3], sizes = [2000, 1], strides = [1, 1]} : vector<2000x4xf32> to vector<2000x1xf32>
    %iota3A = tpu.iota {dimensions = array<i32: 1>} : vector<2000x256xi32>
    %jit3A = arith.constant 64 : i32
    %div3A = vector.broadcast %jit3A : i32 to vector<2000x256xi32>
    %div3A_11 = arith.divsi %iota3A, %div3A : vector<2000x256xi32>
    %sign3A = arith.constant 0 : i32
    %sign3A_12 = vector.broadcast %sign3A : i32 to vector<2000x256xi32>
    %sign3A_13 = arith.cmpi sgt, %iota3A, %sign3A_12 : vector<2000x256xi32>
    %sign3A_14 = arith.extui %sign3A_13 : vector<2000x256xi1> to vector<2000x256xi32>
    %sign3A_15 = arith.constant 0 : i32
    %sign3A_16 = vector.broadcast %sign3A_15 : i32 to vector<2000x256xi32>
    %sign3A_17 = arith.cmpi slt, %iota3A, %sign3A_16 : vector<2000x256xi32>
    %sign3A_18 = arith.extui %sign3A_17 : vector<2000x256xi1> to vector<2000x256xi32>
    %sign3A_19 = arith.subi %sign3A_14, %sign3A_18 : vector<2000x256xi32>
    %sign3A_20 = arith.constant 0 : i32
    %sign3A_21 = arith.cmpi sgt, %jit3A, %sign3A_20 : i32
    %sign3A_22 = arith.extui %sign3A_21 : i1 to i32
    %sign3A_23 = arith.constant 0 : i32
    %sign3A_24 = arith.cmpi slt, %jit3A, %sign3A_23 : i32
    %sign3A_25 = arith.extui %sign3A_24 : i1 to i32
    %sign3A_26 = arith.subi %sign3A_22, %sign3A_25 : i32
    %ne3A = vector.broadcast %sign3A_26 : i32 to vector<2000x256xi32>
    %ne3A_27 = arith.cmpi ne, %sign3A_19, %ne3A : vector<2000x256xi32>
    %rem3A = vector.broadcast %jit3A : i32 to vector<2000x256xi32>
    %rem3A_28 = arith.remsi %iota3A, %rem3A : vector<2000x256xi32>
    %ne3A_29 = arith.constant 0 : i32
    %ne3A_30 = vector.broadcast %ne3A_29 : i32 to vector<2000x256xi32>
    %ne3A_31 = arith.cmpi ne, %rem3A_28, %ne3A_30 : vector<2000x256xi32>
    %and3A = arith.andi %ne3A_27, %ne3A_31 : vector<2000x256xi1>
    %sub3A = arith.constant 1 : i32
    %sub3A_32 = vector.broadcast %sub3A : i32 to vector<2000x256xi32>
    %sub3A_33 = arith.subi %div3A_11, %sub3A_32 : vector<2000x256xi32>
    %select_n3A = arith.select %and3A, %sub3A_33, %div3A_11 : vector<2000x256xi1>, vector<2000x256xi32>
    %eq3A = vector.broadcast %convert_element_type3A : vector<2000x1xi32> to vector<2000x256xi32>
    %eq3A_34 = arith.cmpi eq, %select_n3A, %eq3A : vector<2000x256xi32>
    %slice3A_35 = vector.extract_strided_slice %get3A_4 {offsets = [6, 0], sizes = [1, 256], strides = [1, 1]} : vector<8x256xf32> to vector<1x256xf32>
    %cos3A = math.cos %slice3A_35 : vector<1x256xf32>
    %slice3A_36 = vector.extract_strided_slice %get3A_4 {offsets = [6, 0], sizes = [1, 256], strides = [1, 1]} : vector<8x256xf32> to vector<1x256xf32>
    %sin3A = math.sin %slice3A_36 : vector<1x256xf32>
    %slice3A_37 = vector.extract_strided_slice %get3A_4 {offsets = [0, 0], sizes = [1, 256], strides = [1, 1]} : vector<8x256xf32> to vector<1x256xf32>
    %sub3A_38 = vector.broadcast %slice3A_8 : vector<2000x1xf32> to vector<2000x256xf32>
    %sub3A_39 = vector.broadcast %slice3A_37 : vector<1x256xf32> to vector<2000x256xf32>
    %sub3A_40 = arith.subf %sub3A_38, %sub3A_39 : vector<2000x256xf32>
    %slice3A_41 = vector.extract_strided_slice %get3A_4 {offsets = [1, 0], sizes = [1, 256], strides = [1, 1]} : vector<8x256xf32> to vector<1x256xf32>
    %sub3A_42 = vector.broadcast %slice3A_9 : vector<2000x1xf32> to vector<2000x256xf32>
    %sub3A_43 = vector.broadcast %slice3A_41 : vector<1x256xf32> to vector<2000x256xf32>
    %sub3A_44 = arith.subf %sub3A_42, %sub3A_43 : vector<2000x256xf32>
    %slice3A_45 = vector.extract_strided_slice %get3A_4 {offsets = [2, 0], sizes = [1, 256], strides = [1, 1]} : vector<8x256xf32> to vector<1x256xf32>
    %sub3A_46 = vector.broadcast %slice3A_10 : vector<2000x1xf32> to vector<2000x256xf32>
    %sub3A_47 = vector.broadcast %slice3A_45 : vector<1x256xf32> to vector<2000x256xf32>
    %sub3A_48 = arith.subf %sub3A_46, %sub3A_47 : vector<2000x256xf32>
    %mul3A = vector.broadcast %cos3A : vector<1x256xf32> to vector<2000x256xf32>
    %mul3A_49 = arith.mulf %sub3A_40, %mul3A : vector<2000x256xf32>
    %mul3A_50 = vector.broadcast %sin3A : vector<1x256xf32> to vector<2000x256xf32>
    %mul3A_51 = arith.mulf %sub3A_44, %mul3A_50 : vector<2000x256xf32>
    %add3A = arith.addf %mul3A_49, %mul3A_51 : vector<2000x256xf32>
    %neg3A = arith.constant 0.000000e+00 : f32
    %neg3A_52 = vector.broadcast %neg3A : f32 to vector<2000x256xf32>
    %neg3A_53 = arith.subf %neg3A_52, %sub3A_40 : vector<2000x256xf32>
    %mul3A_54 = vector.broadcast %sin3A : vector<1x256xf32> to vector<2000x256xf32>
    %mul3A_55 = arith.mulf %neg3A_53, %mul3A_54 : vector<2000x256xf32>
    %mul3A_56 = vector.broadcast %cos3A : vector<1x256xf32> to vector<2000x256xf32>
    %mul3A_57 = arith.mulf %sub3A_44, %mul3A_56 : vector<2000x256xf32>
    %add3A_58 = arith.addf %mul3A_55, %mul3A_57 : vector<2000x256xf32>
    %abs3A = math.absf %add3A : vector<2000x256xf32>
    %slice3A_59 = vector.extract_strided_slice %get3A_4 {offsets = [3, 0], sizes = [1, 256], strides = [1, 1]} : vector<8x256xf32> to vector<1x256xf32>
    %mul3A_60 = arith.constant 5.000000e-01 : f32
    %mul3A_61 = vector.broadcast %mul3A_60 : f32 to vector<1x256xf32>
    %mul3A_62 = arith.mulf %slice3A_59, %mul3A_61 : vector<1x256xf32>
    %le3A = vector.broadcast %mul3A_62 : vector<1x256xf32> to vector<2000x256xf32>
    %le3A_63 = arith.cmpf ole, %abs3A, %le3A : vector<2000x256xf32>
    %abs3A_64 = math.absf %add3A_58 : vector<2000x256xf32>
    %slice3A_65 = vector.extract_strided_slice %get3A_4 {offsets = [4, 0], sizes = [1, 256], strides = [1, 1]} : vector<8x256xf32> to vector<1x256xf32>
    %mul3A_66 = arith.constant 5.000000e-01 : f32
    %mul3A_67 = vector.broadcast %mul3A_66 : f32 to vector<1x256xf32>
    %mul3A_68 = arith.mulf %slice3A_65, %mul3A_67 : vector<1x256xf32>
    %le3A_69 = vector.broadcast %mul3A_68 : vector<1x256xf32> to vector<2000x256xf32>
    %le3A_70 = arith.cmpf ole, %abs3A_64, %le3A_69 : vector<2000x256xf32>
    %and3A_71 = arith.andi %le3A_63, %le3A_70 : vector<2000x256xi1>
    %abs3A_72 = math.absf %sub3A_48 : vector<2000x256xf32>
    %slice3A_73 = vector.extract_strided_slice %get3A_4 {offsets = [5, 0], sizes = [1, 256], strides = [1, 1]} : vector<8x256xf32> to vector<1x256xf32>
    %mul3A_74 = arith.constant 5.000000e-01 : f32
    %mul3A_75 = vector.broadcast %mul3A_74 : f32 to vector<1x256xf32>
    %mul3A_76 = arith.mulf %slice3A_73, %mul3A_75 : vector<1x256xf32>
    %le3A_77 = vector.broadcast %mul3A_76 : vector<1x256xf32> to vector<2000x256xf32>
    %le3A_78 = arith.cmpf ole, %abs3A_72, %le3A_77 : vector<2000x256xf32>
    %and3A_79 = arith.andi %and3A_71, %le3A_78 : vector<2000x256xi1>
    %and3A_80 = arith.andi %and3A_79, %eq3A_34 : vector<2000x256xi1>
    %slice3A_81 = vector.extract_strided_slice %get3A_7 {offsets = [6, 0], sizes = [1, 256], strides = [1, 1]} : vector<8x256xf32> to vector<1x256xf32>
    %cos3A_82 = math.cos %slice3A_81 : vector<1x256xf32>
    %slice3A_83 = vector.extract_strided_slice %get3A_7 {offsets = [6, 0], sizes = [1, 256], strides = [1, 1]} : vector<8x256xf32> to vector<1x256xf32>
    %sin3A_84 = math.sin %slice3A_83 : vector<1x256xf32>
    %slice3A_85 = vector.extract_strided_slice %get3A_7 {offsets = [0, 0], sizes = [1, 256], strides = [1, 1]} : vector<8x256xf32> to vector<1x256xf32>
    %sub3A_86 = vector.broadcast %slice3A_8 : vector<2000x1xf32> to vector<2000x256xf32>
    %sub3A_87 = vector.broadcast %slice3A_85 : vector<1x256xf32> to vector<2000x256xf32>
    %sub3A_88 = arith.subf %sub3A_86, %sub3A_87 : vector<2000x256xf32>
    %slice3A_89 = vector.extract_strided_slice %get3A_7 {offsets = [1, 0], sizes = [1, 256], strides = [1, 1]} : vector<8x256xf32> to vector<1x256xf32>
    %sub3A_90 = vector.broadcast %slice3A_9 : vector<2000x1xf32> to vector<2000x256xf32>
    %sub3A_91 = vector.broadcast %slice3A_89 : vector<1x256xf32> to vector<2000x256xf32>
    %sub3A_92 = arith.subf %sub3A_90, %sub3A_91 : vector<2000x256xf32>
    %slice3A_93 = vector.extract_strided_slice %get3A_7 {offsets = [2, 0], sizes = [1, 256], strides = [1, 1]} : vector<8x256xf32> to vector<1x256xf32>
    %sub3A_94 = vector.broadcast %slice3A_10 : vector<2000x1xf32> to vector<2000x256xf32>
    %sub3A_95 = vector.broadcast %slice3A_93 : vector<1x256xf32> to vector<2000x256xf32>
    %sub3A_96 = arith.subf %sub3A_94, %sub3A_95 : vector<2000x256xf32>
    %mul3A_97 = vector.broadcast %cos3A_82 : vector<1x256xf32> to vector<2000x256xf32>
    %mul3A_98 = arith.mulf %sub3A_88, %mul3A_97 : vector<2000x256xf32>
    %mul3A_99 = vector.broadcast %sin3A_84 : vector<1x256xf32> to vector<2000x256xf32>
    %mul3A_100 = arith.mulf %sub3A_92, %mul3A_99 : vector<2000x256xf32>
    %add3A_101 = arith.addf %mul3A_98, %mul3A_100 : vector<2000x256xf32>
    %neg3A_102 = arith.constant 0.000000e+00 : f32
    %neg3A_103 = vector.broadcast %neg3A_102 : f32 to vector<2000x256xf32>
    %neg3A_104 = arith.subf %neg3A_103, %sub3A_88 : vector<2000x256xf32>
    %mul3A_105 = vector.broadcast %sin3A_84 : vector<1x256xf32> to vector<2000x256xf32>
    %mul3A_106 = arith.mulf %neg3A_104, %mul3A_105 : vector<2000x256xf32>
    %mul3A_107 = vector.broadcast %cos3A_82 : vector<1x256xf32> to vector<2000x256xf32>
    %mul3A_108 = arith.mulf %sub3A_92, %mul3A_107 : vector<2000x256xf32>
    %add3A_109 = arith.addf %mul3A_106, %mul3A_108 : vector<2000x256xf32>
    %abs3A_110 = math.absf %add3A_101 : vector<2000x256xf32>
    %slice3A_111 = vector.extract_strided_slice %get3A_7 {offsets = [3, 0], sizes = [1, 256], strides = [1, 1]} : vector<8x256xf32> to vector<1x256xf32>
    %mul3A_112 = arith.constant 5.000000e-01 : f32
    %mul3A_113 = vector.broadcast %mul3A_112 : f32 to vector<1x256xf32>
    %mul3A_114 = arith.mulf %slice3A_111, %mul3A_113 : vector<1x256xf32>
    %le3A_115 = vector.broadcast %mul3A_114 : vector<1x256xf32> to vector<2000x256xf32>
    %le3A_116 = arith.cmpf ole, %abs3A_110, %le3A_115 : vector<2000x256xf32>
    %abs3A_117 = math.absf %add3A_109 : vector<2000x256xf32>
    %slice3A_118 = vector.extract_strided_slice %get3A_7 {offsets = [4, 0], sizes = [1, 256], strides = [1, 1]} : vector<8x256xf32> to vector<1x256xf32>
    %mul3A_119 = arith.constant 5.000000e-01 : f32
    %mul3A_120 = vector.broadcast %mul3A_119 : f32 to vector<1x256xf32>
    %mul3A_121 = arith.mulf %slice3A_118, %mul3A_120 : vector<1x256xf32>
    %le3A_122 = vector.broadcast %mul3A_121 : vector<1x256xf32> to vector<2000x256xf32>
    %le3A_123 = arith.cmpf ole, %abs3A_117, %le3A_122 : vector<2000x256xf32>
    %and3A_124 = arith.andi %le3A_116, %le3A_123 : vector<2000x256xi1>
    %abs3A_125 = math.absf %sub3A_96 : vector<2000x256xf32>
    %slice3A_126 = vector.extract_strided_slice %get3A_7 {offsets = [5, 0], sizes = [1, 256], strides = [1, 1]} : vector<8x256xf32> to vector<1x256xf32>
    %mul3A_127 = arith.constant 5.000000e-01 : f32
    %mul3A_128 = vector.broadcast %mul3A_127 : f32 to vector<1x256xf32>
    %mul3A_129 = arith.mulf %slice3A_126, %mul3A_128 : vector<1x256xf32>
    %le3A_130 = vector.broadcast %mul3A_129 : vector<1x256xf32> to vector<2000x256xf32>
    %le3A_131 = arith.cmpf ole, %abs3A_125, %le3A_130 : vector<2000x256xf32>
    %and3A_132 = arith.andi %and3A_124, %le3A_131 : vector<2000x256xi1>
    %and3A_133 = arith.andi %and3A_132, %eq3A_34 : vector<2000x256xi1>
    %reduce_or3A = arith.constant 1.000000e+00 : f32
    %reduce_or3A_134 = arith.constant 0.000000e+00 : f32
    %reduce_or3A_135 = vector.broadcast %reduce_or3A : f32 to vector<2000x256xf32>
    %reduce_or3A_136 = vector.broadcast %reduce_or3A_134 : f32 to vector<2000x256xf32>
    %reduce_or3A_137 = arith.select %and3A_80, %reduce_or3A_135, %reduce_or3A_136 : vector<2000x256xi1>, vector<2000x256xf32>
    %reduce_or3A_138 = arith.constant dense<0xFF800000> : vector<2000xf32>
    %reduce_or3A_139 = vector.multi_reduction <maximumf>, %reduce_or3A_137, %reduce_or3A_138 [1] : vector<2000x256xf32> to vector<2000xf32>
    %reduce_or3A_140 = arith.constant 0.000000e+00 : f32
    %reduce_or3A_141 = vector.broadcast %reduce_or3A_140 : f32 to vector<2000xf32>
    %reduce_or3A_142 = arith.cmpf ogt, %reduce_or3A_139, %reduce_or3A_141 : vector<2000xf32>
    %broadcast_in_dim3A = vector.shape_cast %reduce_or3A_142 : vector<2000xi1> to vector<2000x1xi1>
    %reduce_or3A_143 = arith.constant 1.000000e+00 : f32
    %reduce_or3A_144 = arith.constant 0.000000e+00 : f32
    %reduce_or3A_145 = vector.broadcast %reduce_or3A_143 : f32 to vector<2000x256xf32>
    %reduce_or3A_146 = vector.broadcast %reduce_or3A_144 : f32 to vector<2000x256xf32>
    %reduce_or3A_147 = arith.select %and3A_133, %reduce_or3A_145, %reduce_or3A_146 : vector<2000x256xi1>, vector<2000x256xf32>
    %reduce_or3A_148 = arith.constant dense<0xFF800000> : vector<2000xf32>
    %reduce_or3A_149 = vector.multi_reduction <maximumf>, %reduce_or3A_147, %reduce_or3A_148 [1] : vector<2000x256xf32> to vector<2000xf32>
    %reduce_or3A_150 = arith.constant 0.000000e+00 : f32
    %reduce_or3A_151 = vector.broadcast %reduce_or3A_150 : f32 to vector<2000xf32>
    %reduce_or3A_152 = arith.cmpf ogt, %reduce_or3A_149, %reduce_or3A_151 : vector<2000xf32>
    %broadcast_in_dim3A_153 = vector.shape_cast %reduce_or3A_152 : vector<2000xi1> to vector<2000x1xi1>
    %xor3A = arith.xori %broadcast_in_dim3A, %broadcast_in_dim3A_153 : vector<2000x1xi1>
    %jit3A_154 = arith.constant 1 : i32
    %jit3A_155 = arith.constant 0 : i32
    %broadcast_in_dim3A_156 = vector.broadcast %jit3A_154 : i32 to vector<2000x1xi32>
    %broadcast_in_dim3A_157 = vector.broadcast %jit3A_155 : i32 to vector<2000x1xi32>
    %select_n3A_158 = arith.select %broadcast_in_dim3A, %broadcast_in_dim3A_156, %broadcast_in_dim3A_157 : vector<2000x1xi1>, vector<2000x1xi32>
    %jit3A_159 = arith.constant -1 : i32
    %broadcast_in_dim3A_160 = vector.broadcast %jit3A_159 : i32 to vector<2000x1xi32>
    %select_n3A_161 = arith.select %xor3A, %broadcast_in_dim3A_160, %select_n3A_158 : vector<2000x1xi1>, vector<2000x1xi32>
    %swap3A = arith.constant 0 : index
    %swap3A_162 = arith.constant 0 : index
    %swap3A_163 = vector.load %arg4[%swap3A, %swap3A_162] : memref<2000x1xi32, #tpu.memory_space<vmem>>, vector<2000x1xi32>
    tpu.vector_store %arg4[%swap3A, %swap3A_162], %select_n3A_161 {strides = array<i32>} : memref<2000x1xi32, #tpu.memory_space<vmem>>, vector<2000x1xi32>,
    %jit3A_164 = arith.constant 256 : i32
    %broadcast_in_dim3A_165 = vector.broadcast %jit3A_164 : i32 to vector<2000x256xi32>
    %select_n3A_166 = arith.select %and3A_80, %iota3A, %broadcast_in_dim3A_165 : vector<2000x256xi1>, vector<2000x256xi32>
    %reduce_min3A = arith.constant dense<2147483647> : vector<2000xi32>
    %reduce_min3A_167 = vector.multi_reduction <minsi>, %select_n3A_166, %reduce_min3A [1] : vector<2000x256xi32> to vector<2000xi32>
    %broadcast_in_dim3A_168 = vector.shape_cast %reduce_min3A_167 : vector<2000xi32> to vector<2000x1xi32>
    %eq3A_169 = vector.broadcast %broadcast_in_dim3A_168 : vector<2000x1xi32> to vector<2000x256xi32>
    %eq3A_170 = arith.cmpi eq, %iota3A, %eq3A_169 : vector<2000x256xi32>
    %slice3A_171 = vector.extract_strided_slice %get3A_4 {offsets = [0, 0], sizes = [3, 256], strides = [1, 1]} : vector<8x256xf32> to vector<3x256xf32>
    %slice3A_172 = vector.extract_strided_slice %get3A_4 {offsets = [3, 0], sizes = [3, 256], strides = [1, 1]} : vector<8x256xf32> to vector<3x256xf32>
    %max3A = arith.constant 1.000000e-03 : f32
    %max3A_173 = vector.broadcast %max3A : f32 to vector<3x256xf32>
    %max3A_174 = arith.maximumf %slice3A_172, %max3A_173 : vector<3x256xf32>
    %log3A = math.log %max3A_174 : vector<3x256xf32>
    %slice3A_175 = vector.extract_strided_slice %get3A_4 {offsets = [6, 0], sizes = [1, 256], strides = [1, 1]} : vector<8x256xf32> to vector<1x256xf32>
    %cos3A_176 = math.cos %slice3A_175 : vector<1x256xf32>
    %slice3A_177 = vector.extract_strided_slice %get3A_4 {offsets = [6, 0], sizes = [1, 256], strides = [1, 1]} : vector<8x256xf32> to vector<1x256xf32>
    %sin3A_178 = math.sin %slice3A_177 : vector<1x256xf32>
    %concatenate3A = tpu.concatenate %slice3A_171, %log3A, %cos3A_176, %sin3A_178 in 0 : vector<3x256xf32>, vector<3x256xf32>, vector<1x256xf32>, vector<1x256xf32> -> vector<8x256xf32>
    %slice3A_179 = vector.extract_strided_slice %concatenate3A {offsets = [0, 0], sizes = [1, 256], strides = [1, 1]} : vector<8x256xf32> to vector<1x256xf32>
    %jit3A_180 = arith.constant 0.000000e+00 : f32
    %broadcast_in_dim3A_181 = vector.shape_cast %slice3A_179 : vector<1x256xf32> to vector<1x256xf32>
    %broadcast_in_dim3A_182 = vector.broadcast %broadcast_in_dim3A_181 : vector<1x256xf32> to vector<2000x256xf32>
    %broadcast_in_dim3A_183 = vector.broadcast %jit3A_180 : f32 to vector<2000x256xf32>
    %select_n3A_184 = arith.select %eq3A_170, %broadcast_in_dim3A_182, %broadcast_in_dim3A_183 : vector<2000x256xi1>, vector<2000x256xf32>
    %reduce_sum3A = arith.constant dense<0.000000e+00> : vector<2000xf32>
    %reduce_sum3A_185 = vector.multi_reduction <add>, %select_n3A_184, %reduce_sum3A [1] : vector<2000x256xf32> to vector<2000xf32>
    %broadcast_in_dim3A_186 = vector.shape_cast %reduce_sum3A_185 : vector<2000xf32> to vector<2000x1xf32>
    %slice3A_187 = vector.extract_strided_slice %concatenate3A {offsets = [1, 0], sizes = [1, 256], strides = [1, 1]} : vector<8x256xf32> to vector<1x256xf32>
    %jit3A_188 = arith.constant 0.000000e+00 : f32
    %broadcast_in_dim3A_189 = vector.shape_cast %slice3A_187 : vector<1x256xf32> to vector<1x256xf32>
    %broadcast_in_dim3A_190 = vector.broadcast %broadcast_in_dim3A_189 : vector<1x256xf32> to vector<2000x256xf32>
    %broadcast_in_dim3A_191 = vector.broadcast %jit3A_188 : f32 to vector<2000x256xf32>
    %select_n3A_192 = arith.select %eq3A_170, %broadcast_in_dim3A_190, %broadcast_in_dim3A_191 : vector<2000x256xi1>, vector<2000x256xf32>
    %reduce_sum3A_193 = arith.constant dense<0.000000e+00> : vector<2000xf32>
    %reduce_sum3A_194 = vector.multi_reduction <add>, %select_n3A_192, %reduce_sum3A_193 [1] : vector<2000x256xf32> to vector<2000xf32>
    %broadcast_in_dim3A_195 = vector.shape_cast %reduce_sum3A_194 : vector<2000xf32> to vector<2000x1xf32>
    %slice3A_196 = vector.extract_strided_slice %concatenate3A {offsets = [2, 0], sizes = [1, 256], strides = [1, 1]} : vector<8x256xf32> to vector<1x256xf32>
    %jit3A_197 = arith.constant 0.000000e+00 : f32
    %broadcast_in_dim3A_198 = vector.shape_cast %slice3A_196 : vector<1x256xf32> to vector<1x256xf32>
    %broadcast_in_dim3A_199 = vector.broadcast %broadcast_in_dim3A_198 : vector<1x256xf32> to vector<2000x256xf32>
    %broadcast_in_dim3A_200 = vector.broadcast %jit3A_197 : f32 to vector<2000x256xf32>
    %select_n3A_201 = arith.select %eq3A_170, %broadcast_in_dim3A_199, %broadcast_in_dim3A_200 : vector<2000x256xi1>, vector<2000x256xf32>
    %reduce_sum3A_202 = arith.constant dense<0.000000e+00> : vector<2000xf32>
    %reduce_sum3A_203 = vector.multi_reduction <add>, %select_n3A_201, %reduce_sum3A_202 [1] : vector<2000x256xf32> to vector<2000xf32>
    %broadcast_in_dim3A_204 = vector.shape_cast %reduce_sum3A_203 : vector<2000xf32> to vector<2000x1xf32>
    %slice3A_205 = vector.extract_strided_slice %concatenate3A {offsets = [3, 0], sizes = [1, 256], strides = [1, 1]} : vector<8x256xf32> to vector<1x256xf32>
    %jit3A_206 = arith.constant 0.000000e+00 : f32
    %broadcast_in_dim3A_207 = vector.shape_cast %slice3A_205 : vector<1x256xf32> to vector<1x256xf32>
    %broadcast_in_dim3A_208 = vector.broadcast %broadcast_in_dim3A_207 : vector<1x256xf32> to vector<2000x256xf32>
    %broadcast_in_dim3A_209 = vector.broadcast %jit3A_206 : f32 to vector<2000x256xf32>
    %select_n3A_210 = arith.select %eq3A_170, %broadcast_in_dim3A_208, %broadcast_in_dim3A_209 : vector<2000x256xi1>, vector<2000x256xf32>
    %reduce_sum3A_211 = arith.constant dense<0.000000e+00> : vector<2000xf32>
    %reduce_sum3A_212 = vector.multi_reduction <add>, %select_n3A_210, %reduce_sum3A_211 [1] : vector<2000x256xf32> to vector<2000xf32>
    %broadcast_in_dim3A_213 = vector.shape_cast %reduce_sum3A_212 : vector<2000xf32> to vector<2000x1xf32>
    %slice3A_214 = vector.extract_strided_slice %concatenate3A {offsets = [4, 0], sizes = [1, 256], strides = [1, 1]} : vector<8x256xf32> to vector<1x256xf32>
    %jit3A_215 = arith.constant 0.000000e+00 : f32
    %broadcast_in_dim3A_216 = vector.shape_cast %slice3A_214 : vector<1x256xf32> to vector<1x256xf32>
    %broadcast_in_dim3A_217 = vector.broadcast %broadcast_in_dim3A_216 : vector<1x256xf32> to vector<2000x256xf32>
    %broadcast_in_dim3A_218 = vector.broadcast %jit3A_215 : f32 to vector<2000x256xf32>
    %select_n3A_219 = arith.select %eq3A_170, %broadcast_in_dim3A_217, %broadcast_in_dim3A_218 : vector<2000x256xi1>, vector<2000x256xf32>
    %reduce_sum3A_220 = arith.constant dense<0.000000e+00> : vector<2000xf32>
    %reduce_sum3A_221 = vector.multi_reduction <add>, %select_n3A_219, %reduce_sum3A_220 [1] : vector<2000x256xf32> to vector<2000xf32>
    %broadcast_in_dim3A_222 = vector.shape_cast %reduce_sum3A_221 : vector<2000xf32> to vector<2000x1xf32>
    %slice3A_223 = vector.extract_strided_slice %concatenate3A {offsets = [5, 0], sizes = [1, 256], strides = [1, 1]} : vector<8x256xf32> to vector<1x256xf32>
    %jit3A_224 = arith.constant 0.000000e+00 : f32
    %broadcast_in_dim3A_225 = vector.shape_cast %slice3A_223 : vector<1x256xf32> to vector<1x256xf32>
    %broadcast_in_dim3A_226 = vector.broadcast %broadcast_in_dim3A_225 : vector<1x256xf32> to vector<2000x256xf32>
    %broadcast_in_dim3A_227 = vector.broadcast %jit3A_224 : f32 to vector<2000x256xf32>
    %select_n3A_228 = arith.select %eq3A_170, %broadcast_in_dim3A_226, %broadcast_in_dim3A_227 : vector<2000x256xi1>, vector<2000x256xf32>
    %reduce_sum3A_229 = arith.constant dense<0.000000e+00> : vector<2000xf32>
    %reduce_sum3A_230 = vector.multi_reduction <add>, %select_n3A_228, %reduce_sum3A_229 [1] : vector<2000x256xf32> to vector<2000xf32>
    %broadcast_in_dim3A_231 = vector.shape_cast %reduce_sum3A_230 : vector<2000xf32> to vector<2000x1xf32>
    %slice3A_232 = vector.extract_strided_slice %concatenate3A {offsets = [6, 0], sizes = [1, 256], strides = [1, 1]} : vector<8x256xf32> to vector<1x256xf32>
    %jit3A_233 = arith.constant 0.000000e+00 : f32
    %broadcast_in_dim3A_234 = vector.shape_cast %slice3A_232 : vector<1x256xf32> to vector<1x256xf32>
    %broadcast_in_dim3A_235 = vector.broadcast %broadcast_in_dim3A_234 : vector<1x256xf32> to vector<2000x256xf32>
    %broadcast_in_dim3A_236 = vector.broadcast %jit3A_233 : f32 to vector<2000x256xf32>
    %select_n3A_237 = arith.select %eq3A_170, %broadcast_in_dim3A_235, %broadcast_in_dim3A_236 : vector<2000x256xi1>, vector<2000x256xf32>
    %reduce_sum3A_238 = arith.constant dense<0.000000e+00> : vector<2000xf32>
    %reduce_sum3A_239 = vector.multi_reduction <add>, %select_n3A_237, %reduce_sum3A_238 [1] : vector<2000x256xf32> to vector<2000xf32>
    %broadcast_in_dim3A_240 = vector.shape_cast %reduce_sum3A_239 : vector<2000xf32> to vector<2000x1xf32>
    %slice3A_241 = vector.extract_strided_slice %concatenate3A {offsets = [7, 0], sizes = [1, 256], strides = [1, 1]} : vector<8x256xf32> to vector<1x256xf32>
    %jit3A_242 = arith.constant 0.000000e+00 : f32
    %broadcast_in_dim3A_243 = vector.shape_cast %slice3A_241 : vector<1x256xf32> to vector<1x256xf32>
    %broadcast_in_dim3A_244 = vector.broadcast %broadcast_in_dim3A_243 : vector<1x256xf32> to vector<2000x256xf32>
    %broadcast_in_dim3A_245 = vector.broadcast %jit3A_242 : f32 to vector<2000x256xf32>
    %select_n3A_246 = arith.select %eq3A_170, %broadcast_in_dim3A_244, %broadcast_in_dim3A_245 : vector<2000x256xi1>, vector<2000x256xf32>
    %reduce_sum3A_247 = arith.constant dense<0.000000e+00> : vector<2000xf32>
    %reduce_sum3A_248 = vector.multi_reduction <add>, %select_n3A_246, %reduce_sum3A_247 [1] : vector<2000x256xf32> to vector<2000xf32>
    %broadcast_in_dim3A_249 = vector.shape_cast %reduce_sum3A_248 : vector<2000xf32> to vector<2000x1xf32>
    %concatenate3A_250 = tpu.concatenate %broadcast_in_dim3A_186, %broadcast_in_dim3A_195, %broadcast_in_dim3A_204, %broadcast_in_dim3A_213, %broadcast_in_dim3A_222, %broadcast_in_dim3A_231, %broadcast_in_dim3A_240, %broadcast_in_dim3A_249 in 1 : vector<2000x1xf32>, vector<2000x1xf32>, vector<2000x1xf32>, vector<2000x1xf32>, vector<2000x1xf32>, vector<2000x1xf32>, vector<2000x1xf32>, vector<2000x1xf32> -> vector<2000x8xf32>
    %slice3A_251 = vector.extract_strided_slice %concatenate3A_250 {offsets = [0, 0], sizes = [2000, 3], strides = [1, 1]} : vector<2000x8xf32> to vector<2000x3xf32>
    %concatenate3A_252 = tpu.concatenate %slice3A_8, %slice3A_9, %slice3A_10 in 1 : vector<2000x1xf32>, vector<2000x1xf32>, vector<2000x1xf32> -> vector<2000x3xf32>
    %sub3A_253 = arith.subf %slice3A_251, %concatenate3A_252 : vector<2000x3xf32>
    %slice3A_254 = vector.extract_strided_slice %concatenate3A_250 {offsets = [0, 3], sizes = [2000, 5], strides = [1, 1]} : vector<2000x8xf32> to vector<2000x5xf32>
    %concatenate3A_255 = tpu.concatenate %sub3A_253, %slice3A_254 in 1 : vector<2000x3xf32>, vector<2000x5xf32> -> vector<2000x8xf32>
    %convert_element_type3A_256 = arith.extui %broadcast_in_dim3A : vector<2000x1xi1> to vector<2000x1xi32>
    %convert_element_type3A_257 = arith.sitofp %convert_element_type3A_256 : vector<2000x1xi32> to vector<2000x1xf32>
    %mul3A_258 = vector.broadcast %convert_element_type3A_257 : vector<2000x1xf32> to vector<2000x8xf32>
    %mul3A_259 = arith.mulf %concatenate3A_255, %mul3A_258 : vector<2000x8xf32>
    %swap3A_260 = arith.constant 0 : index
    %swap3A_261 = arith.constant 0 : index
    %swap3A_262 = vector.load %arg5[%swap3A_260, %swap3A_261] : memref<2000x8xf32, #tpu.memory_space<vmem>>, vector<2000x8xf32>
    tpu.vector_store %arg5[%swap3A_260, %swap3A_261], %mul3A_259 {strides = array<i32>} : memref<2000x8xf32, #tpu.memory_space<vmem>>, vector<2000x8xf32>,
    return
  }
  func.func @transform_0(%arg0: i32) -> (i32, i32) {
    %c0_i32 = arith.constant 0 : i32
    %c0_i32_0 = arith.constant 0 : i32
    return %arg0, %c0_i32 : i32, i32
  }
  func.func @transform_1(%arg0: i32) -> (i32, i32) {
    %c0_i32 = arith.constant 0 : i32
    %c0_i32_0 = arith.constant 0 : i32
    %c0_i32_1 = arith.constant 0 : i32
    return %c0_i32, %c0_i32_0 : i32, i32
  }
  func.func @transform_2(%arg0: i32) -> (i32, i32) {
    %c0_i32 = arith.constant 0 : i32
    %c0_i32_0 = arith.constant 0 : i32
    %c0_i32_1 = arith.constant 0 : i32
    return %c0_i32, %c0_i32_0 : i32, i32
  }
  func.func @transform_3(%arg0: i32) -> (i32, i32) {
    %c0_i32 = arith.constant 0 : i32
    %c0_i32_0 = arith.constant 0 : i32
    return %arg0, %c0_i32 : i32, i32
  }
  func.func @transform_4(%arg0: i32) -> (i32, i32) {
    %c0_i32 = arith.constant 0 : i32
    %c0_i32_0 = arith.constant 0 : i32
    return %arg0, %c0_i32 : i32, i32
  }
}

</mosaic_0001>

<sc_bundles>
// kernel: kernel.5.cloned.1.call-start
scs
__scs_entry_jumppad:
0x0: {  	(pc) =	sbr.rel $0x88, $3  }
0x1: {  	(tag) =	ssettag $0x0;
	lr =	simm.s32 $0x1  }
0x2: {  	[smem:$0x3F9E] =	sst lr;
	_ =	strace $0xD0000000  }
0x3: {  	_ = 	snop  }
0x4: {  	_ = 	snop  }
0x5: {  	_ = 	snop  }
0x6: {  	_ = 	snop  }
0x7: {  	_ = 	snop  }
__scs_overlays_trampoline_lowered:
0x8: {  	[smem:$0x3FAD] =	sst s0  }
0x9: {  	[smem:$0x3FAE] =	sst s1  }
0xa: {  	[smem:$0x3FAF] =	sst s2  }
0xb: {  	[smem:$0x3FB0] =	sst s3  }
0xc: {  	[smem:$0x3FB1] =	sst s4  }
0xd: {  	[smem:$0x3FB2] =	sst s5  }
0xe: {  	[smem:$0x3FB3] =	sst s6  }
0xf: {  	[smem:$0x3FB4] =	sst s7  }
0x10: {  	[smem:$0x3FB5] =	sst s8  }
0x11: {  	[smem:$0x3FB6] =	sst s9;
	s0 =	simm.s32 @!p0 $0x0  }
0x12: {  	s1 =	sld [smem:$0x3F9C];
	s0 =	simm.s32 @p0 $0x1  }
0x13: {  	[smem:$0x3FB7] =	sst s0;
	s0 =	simm.s32 @!p1 $0x0  }
0x14: {  	s2 =	sld [smem:$0x3F9B];
	s0 =	simm.s32 @p1 $0x1  }
0x15: {  	[smem:$0x3FB8] =	sst s0;
	s0 =	simm.s32 @!p2 $0x0  }
0x16: {  	s3 =	sld [smem:$0x3FDB];
	s0 =	simm.s32 @p2 $0x1  }
0x17: {  	s4 =	simm.s32 $0x1BF5;
	[smem:$0x3FBA] =	sst s0  }
0x18: {  	s0 =	sld [smem:$0x3F9D];
	_ =	swait.ge [sflag:s4], $0x0  }
0x19: {  	s7 =	sld [smem:$0x3F9E]  }
0x1a: {  	s8 =	sadd.s32 $0xFFFFE003, lr  }
0x1b: {  	s9 =	sadd.s32 $0xFFFFFEF7, lr;
	s5 =	simm.s32 $0xFFFFFFFF;
	p2 =	slt.u32 s8, $0xFFFFF086  }
0x1c: {  	p1 =	slt.u32 s9, $0xF7A;
	s5 =	simm.s32 @!p2 $0x0  }
0x1d: {  	s5 =	simm.s32 @p1 $0x1;
	p0 =	seq.s32 s7, s2  }
0x1e: {  	s7 =	smul.u32 @!p0 $0xF7A, s2;
	p2 =	seq.s32 @!p0 s5, $0x0  }
0x1f: {  	s9 =	smul.u32 $0xF7A, s1;
	s8 =	simm.s32 @!p0 $0x1BF5;
	p2 =	por !p2, p0  }
0x20: {  	[sflag:s8] =	ssyncset.s32 @!p0 $0xFFFFF086;
	s6 =	sadd.s32 @!p0 s3, s7;
	s7 =	simm.s32 @!p0 $0x108  }
0x21: {  	s3 =	sadd.s32 s3, s9;
	s6 =	sadd.s32 @!p0 $0x88, s6;
	s7 =	simm.s32 @p2 $0x1082  }
0x22: {  	[simem:s7], [sflag:s8] =	dma.local @!p0 [hbm:s6], $0xF7A  }
0x23: {  	s9 =	sor.u32 $0xD0000000, s2;
	s6 =	simm.s32 $0x108;
	_ =	swait.ge @!p0 [sflag:s8], $0x0  }
0x24: {  	s3 =	sadd.s32 $0x88, s3;
	s6 =	simm.s32 @!p1 $0x1082;
	[sflag:s4] =	ssyncset.s32 $0xFFFFF086  }
0x25: {  	[simem:s6], [sflag:s4] =	dma.local [hbm:s3], $0xF7A  }
0x26: {  	[smem:$0x3F9E] =	sst s1;
	(tag) =	ssettag s2;
	_ =	strace s9  }
0x27: {  	s1 =	sld [smem:$0x3FAE]  }
0x28: {  	s2 =	sld [smem:$0x3FAF]  }
0x29: {  	s4 =	sld [smem:$0x3FB1]  }
0x2a: {  	p0 =	seq.s32 s5, $0x0;
	s5 =	sld [smem:$0x3FB2]  }
0x2b: {  	s6 =	sld [smem:$0x3FB3]  }
0x2c: {  	s7 =	sld [smem:$0x3FB4]  }
0x2d: {  	s3 =	simm.s32 $0x108;
	s8 =	sld [smem:$0x3FB5]  }
0x2e: {  	s3 =	simm.s32 @!p0 $0x1082;
	s9 =	sld [smem:$0x3FB6]  }
0x2f: {  	lr =	sadd.s32 s0, s3;
	s0 =	sld [smem:$0x3FAD]  }
0x30: {  	s3 =	sld [smem:$0x3FB0]  }
0x31: {  	[smem:$0x3FB9] =	sst s10  }
0x32: {  	s10 =	sld [smem:$0x3FB7];
	_ =	sdelay $0x3  }
0x33: {  	p0 =	seq.s32 s10, $0x1;
	s10 =	sld [smem:$0x3FB9];
	_ =	sdelay $0x3  }
0x34: {  	[smem:$0x3FB9] =	sst s10  }
0x35: {  	s10 =	sld [smem:$0x3FB8];
	_ =	sdelay $0x3  }
0x36: {  	p1 =	seq.s32 s10, $0x1;
	s10 =	sld [smem:$0x3FB9];
	_ =	sdelay $0x3  }
0x37: {  	[smem:$0x3FB9] =	sst s10  }
0x38: {  	s10 =	sld [smem:$0x3FBA]  }
0x39: {  	_ = 	snop;
	(pc) =	sbr.ind lr, $3  }
0x3a: {  	_ = 	snop  }
0x3b: {  	_ = 	snop  }
0x3c: {  	p2 =	seq.s32 s10, $0x1;
	s10 =	sld [smem:$0x3FB9]  }
0x3d: {  	_ =	shalt  }
0x3e: {  	_ =	shalt  }
0x3f: {  	_ =	shalt  }
0x40: {  	_ =	shalt  }
0x41: {  	_ =	shalt  }
0x42: {  	_ =	shalt  }
0x43: {  	_ =	shalt  }
0x44: {  	_ =	shalt  }
0x45: {  	_ =	shalt  }
0x46: {  	_ =	shalt  }
0x47: {  	_ =	shalt  }
0x48: {  	_ =	shalt  }
0x49: {  	_ =	shalt  }
0x4a: {  	_ =	shalt  }
0x4b: {  	_ =	shalt  }
0x4c: {  	_ =	shalt  }
0x4d: {  	_ =	shalt  }
0x4e: {  	_ =	shalt  }
0x4f: {  	_ =	shalt  }
0x50: {  	_ =	shalt  }
0x51: {  	_ =	shalt  }
0x52: {  	_ =	shalt  }
0x53: {  	_ =	shalt  }
0x54: {  	_ =	shalt  }
0x55: {  	_ =	shalt  }
0x56: {  	_ =	shalt  }
0x57: {  	_ =	shalt  }
0x58: {  	_ =	shalt  }
0x59: {  	_ =	shalt  }
0x5a: {  	_ =	shalt  }
0x5b: {  	_ =	shalt  }
0x5c: {  	_ =	shalt  }
0x5d: {  	_ =	shalt  }
0x5e: {  	_ =	shalt  }
0x5f: {  	_ =	shalt  }
0x60: {  	_ =	shalt  }
0x61: {  	_ =	shalt  }
0x62: {  	_ =	shalt  }
0x63: {  	_ =	shalt  }
0x64: {  	_ =	shalt  }
0x65: {  	_ =	shalt  }
0x66: {  	_ =	shalt  }
0x67: {  	_ =	shalt  }
0x68: {  	_ =	shalt  }
0x69: {  	_ =	shalt  }
0x6a: {  	_ =	shalt  }
0x6b: {  	_ =	shalt  }
0x6c: {  	_ =	shalt  }
0x6d: {  	_ =	shalt  }
0x6e: {  	_ =	shalt  }
0x6f: {  	_ =	shalt  }
0x70: {  	_ =	shalt  }
0x71: {  	_ =	shalt  }
0x72: {  	_ =	shalt  }
0x73: {  	_ =	shalt  }
0x74: {  	_ =	shalt  }
0x75: {  	_ =	shalt  }
0x76: {  	_ =	shalt  }
0x77: {  	_ =	shalt  }
0x78: {  	_ =	shalt  }
0x79: {  	_ =	shalt  }
0x7a: {  	_ =	shalt  }
0x7b: {  	_ =	shalt  }
0x7c: {  	_ =	shalt  }
0x7d: {  	_ =	shalt  }
0x7e: {  	_ =	shalt  }
0x7f: {  	_ =	shalt  }
0x80: {  	_ =	shalt  }
0x81: {  	_ =	shalt  }
0x82: {  	_ =	shalt  }
0x83: {  	_ =	shalt  }
0x84: {  	_ =	shalt  }
0x85: {  	_ =	shalt  }
0x86: {  	_ =	shalt  }
0x87: {  	_ =	shalt  }
.Lfunc_end0:
.L_simem_size_0:
called_computation_lowered:
.L_overlay_start_0:
0x88: {  	s2 =	sld [smem:$0x3FD9]  }
0x89: {  	s3 =	sld [smem:$0x3FFE];
	_ =	sdelay $0x1  }
0x8a: {  	s1 =	srdreg.scid  }
0x8b: {  	s0 =	sand.u32 $0x1, s1  }
0x8c: {  	s14 =	sshll.u32 s0, $0xA;
	s2 =	sadd.s32 s3, s2  }
0x8d: {  	s2 =	sadd.s32 s2, s14  }
0x8e: {  	[smem:$0x3FC5] =	sst s2  }
0x8f: {  	_ = 	snop  }
0x90: {  	s2 =	sld [smem:$0x3FD0];
	_ =	sdelay $0x2  }
0x91: {  	s15 =	simm.s32 $0xA;
	s4 =	simm.s32 $0x10  }
0x92: {  	[smem:s4], [sflag:s15] =	dma.local [hbm:s2], $0x1  }
0x93: {  	_ =	swait.eq [sflag:s15], $0x1  }
0x94: {  	[sflag:s15] =	ssyncset.done $0x0  }
0x95: {  	s16 =	sld [smem:$0x10];
	[sflag:s15] =	ssyncadd.s32 $0xFFFFFFFF  }
0x96: {  	s17 =	sld [smem:$0x11];
	(tm) =	ssettm $0x1  }
0x97: {  	s18 =	sld [smem:$0x3FFB];
	_ =	sdelay $0x3  }
0x98: {  	_ =	strace s18  }
0x99: {  	s4 =	sld [smem:$0x3FFC];
	_ =	sdelay $0x3  }
0x9a: {  	_ =	strace s4  }
0x9b: {  	s4 =	sld [smem:$0x3FFD];
	_ =	sdelay $0x3  }
0x9c: {  	_ =	strace s4  }
0x9d: {  	_ =	strace $0x8FFFFFFF  }
0x9e: {  	s19 =	sld [smem:$0x3FDB];
	_ =	sdelay $0x1  }
0x9f: {  	s5 =	simm.s32 $_scs_section_size  }
0xa0: {  	s6 =	simm.s32 $_size__tile_overlayer_lowered;
	s7 =	simm.s32 $_tile_overlayer_lowered  }
0xa1: {  	s22 =	simm.s32 $0x1BFF;
	s21 =	sshll.u32 s7, $0x1;
	s4 =	sadd.s32 s5, s19  }
0xa2: {  	s8 =	simm.s32 $0x0;
	s20 =	sshll.u32 s6, $0x1;
	s6 =	sadd.s32 s21, s4  }
0xa3: {  	[timem:s8], [sflag:s22] =	dma.local [hbm:s6], s20  }
0xa4: {  	_ =	swait.ge [sflag:s22], s20  }
0xa5: {  	s5 =	ssub.s32 $0x0, s20;
	[sflag:s22] =	ssyncset.done $0x0  }
0xa6: {  	[sflag:s22] =	ssyncadd.s32 s5;
	_ =	sdelay $0x1  }
0xa7: {  	s23 =	simm.s32 $0x1B8B  }
0xa8: {  	_ =	swait.ge [sflag:s23], $0x1  }
0xa9: {  	[sflag:s23] =	ssyncset.done $0x0  }
0xaa: {  	s25 =	simm.s32 $0x1B8E;
	s24 =	sld [smem:$0x3FFE];
	[sflag:s23] =	ssyncadd.s32 $0xFFFFFFFF  }
0xab: {  	s26 =	simm.s32 $execute0_lowered;
	[smem:$0x3FD2] =	sst s25  }
0xac: {  	s6 =	sshll.u32 s26, $0x1;
	_ =	strace $0x80000046;
	[dreg:$0x1] =	wrdreg $0xFFFFFFFF  }
0xad: {  	s28 =	simm.s32 $_size_execute0_lowered;
	s4 =	sadd.s32 s4, s6;
	[dreg:$0x0] =	wrdreg $0x0  }
0xae: {  	s6 =	sshll.u32 s28, $0x1;
	[dreg:$0x2] =	wrdreg s4  }
0xaf: {  	[dreg:$0x3] =	wrdreg s6  }
0xb0: {  	[dreg:$0x4] =	wrdreg $0xC0  }
0xb1: {  	_ =	task [dreg:s8], $0x5FFFF  }
0xb2: {  	[dreg:$0x1] =	wrdreg $0xFFFFFFFF  }
0xb3: {  	[dreg:$0x0] =	wrdreg $0x60  }
0xb4: {  	[dreg:$0x2] =	wrdreg s24  }
0xb5: {  	[dreg:$0x3] =	wrdreg s17  }
0xb6: {  	[dreg:$0x4] =	wrdreg s16  }
0xb7: {  	[dreg:$0x5] =	wrdreg $0x9  }
0xb8: {  	_ =	task.clear_ibuf [dreg:s8], $0x6FFFF;
	_ =	strace $0x90000046  }
0xb9: {  	s29 =	simm.s32 $0x9;
	_ =	strace $0x80000048  }
0xba: {  	_ =	swait.ge [sflag:s29], $0x1  }
0xbb: {  	[sflag:s29] =	ssyncadd.s32 $0xFFFFFFFF  }
0xbc: {  	_ =	strace $0x90000048  }
0xbd: {  	_ =	sfence  }
0xbe: {  	s30 =	sld [smem:$0x0];
	_ =	sdelay $0x2  }
0xbf: {  	s31 =	sshll.u32 s1, $0xD;
	s1 =	sshrl.u32 s1, $0x2  }
0xc0: {  	s3 =	sand.u32 $0x4000, s31;
	s1 =	sadd.s32 s1, s30  }
0xc1: {  	s0 =	sor.u32 s3, s0;
	s1 =	sshll.u32 s1, $0x11  }
0xc2: {  	s0 =	sor.u32 s1, s0  }
0xc3: {  	s0 =	sadd.s32 $0x8F2B, s0  }
0xc4: {  	[sflag:s0] =	ssyncadd.remote.s32 $0x1  }
0xc5: {  	_ =	sfence.sel $0xFFFF  }
0xc6: {  	[dreg:$0x0] =	wrdreg $0xFFFFFFFF;
	(pc) =	sbr.abs _section_cstart, $3  }
0xc7: {  	[dreg:$0x1] =	wrdreg $0xFFFFFFFF  }
0xc8: {  	_ =	task.clear_ibuf [dreg:s8], $0x2FFFF;
	_ =	strace $0x9FFFFFFF  }
0xc9: {  	(tm) =	ssettm $0x7FFFFFFF  }
tec
execute0_lowered:
.L_overlay_start_1:
0x0: {  	(tag) =	ssettag $0x1  }
0x1: {  	s0 =	rddreg [dreg:$0x0]  }
0x2: {  	s1 =	rddreg [dreg:$0x1]  }
0x3: {  	s15 =	rddreg [dreg:$0x2]  }
0x4: {  	s2 =	simm.s32 $0x0;
	s3 =	srdreg.scid;
	s4 =	stileid.u32  }
0x5: {  	s22 =	simm.s32 $0x1540;
	s23 =	simm.s32 $0x1900;
	s24 =	simm.s32 $0x1700  }
0x6: {  	[smem:$0x7FF] =	sst s2;
	s3 =	sand.u32 $0x1, s3;
	s4 =	sshll.u32 s4, $0x1  }
0x7: {  	s25 =	simm.s32 $0x0;
	_ =	strace $0x80000047;
	s18 =	sor.u32 s3, s4  }
0x8: {  	s29 =	ssub.s32 $0x2, s3;
	s3 =	sadd.s32 $0xA00, s0;
	s0 =	sadd.s32 $0xC00, s0  }
0x9: {  	s4 =	simm.s32 $0x1C;
	s5 =	smul.u32 $0x1B0, s18;
	s6 =	smin.u32 s18, $0xB  }
0xa: {  	s7 =	sshrl.u32 s29, $0x1;
	p0 =	slt.u32 s18, $0xB;
	s6 =	sshll.u32 s6, $0x4  }
0xb: {  	s17 =	ssub.s32 s29, s7;
	s4 =	simm.s32 @!p0 $0x1B;
	p0 =	sgt.u32 s18, $0xA  }
0xc: {  	s18 =	simm.s32 $0x1;
	s13 =	sadd.s32 s5, s6;
	s17 =	smax.u32 s17, $0x1  }
0xd: {  	s14 =	sshrl.u32 s13, $0x3;
	s16 =	sadd.s32 $0x1B0, s13;
	s30 =	sshll.u32 s13, $0x4  }
.Ltmp0:
0xe: {  	s5 =	sadd.s32 s1, s14;
	s19 =	sshrl.u32 s16, $0x3;
	(pc) =	sbr.rel .LBB2_1-.Ltmp0, $4  }
0xf: {  	s13 =	sadd.s32 s15, s14;
	s14 =	sadd.s32 s0, s30;
	s31 =	sshll.u32 s16, $0x4  }
0x10: {  	s6 =	sadd.s32 $0x6D6, s5;
	s7 =	sadd.s32 $0xDAC, s5;
	s8 =	sadd.s32 $0x1482, s5  }
0x11: {  	v1 =	vlaneseq.u32;
	s9 =	sadd.s32 s1, s19;
	s10 =	sadd.s32 $0x70C, s5;
	s11 =	sadd.s32 $0xDE2, s5  }
0x12: {  	vm0 =	vmxor vm0, vm0;
	v0 =	vimm.s32 $0x0;
	v1 =	vmul.u32 $0x80, v1;
	s12 =	sadd.s32 $0x14B8, s5;
	s15 =	sadd.s32 s15, s19;
	s16 =	sadd.s32 s0, s31  }
.LBB2_9:
0x13: {  	[hbm4b:s13+s2] =	stream.linear.scatter [tilespmem:s24], [sflag:$0x1], $0x1B0, $0x38;
	[tilespmem:$0xF900] =	vst v63  }
0x14: {  	_ =	swait.ge [sflag:s18], $0x1B0  }
0x15: {  	[sflag:s18] =	ssyncset.done $0x0  }
0x16: {  	[sflag:s18] =	ssyncadd.s32 $0xFFFFFE50  }
0x17: {  	[hbm4b:s14+s2] =	stream.linear.scatter [tilespmem:s23], [sflag:$0x1], $0xD800, $0x38;
	[tilespmem:$0xF900] =	vst v63  }
0x18: {  	_ =	swait.ge [sflag:s18], $0xD800  }
0x19: {  	[sflag:s18] =	ssyncset.done $0x0  }
0x1a: {  	s0 =	simm.s32 @!p0 $0x0;
	s1 =	simm.s32 @!p0 $0x18B0;
	[sflag:s18] =	ssyncadd.s32 $0xFFFF2800  }
0x1b: {  	[hbm4b:s15+s0] =	stream.linear.scatter @!p0 [tilespmem:s1], [sflag:$0x1], $0x10, $0x38;
	[tilespmem:$0xF900] =	vst v63  }
0x1c: {  	s1 =	simm.s32 @!p0 $0x1  }
0x1d: {  	s25 =	sadd.s32 $0x1, s25;
	_ =	swait.ge @!p0 [sflag:s1], $0x10  }
0x1e: {  	p1 =	sne.s32 s25, s17;
	[sflag:s1] =	ssyncset.done @!p0 $0x0  }
.Ltmp1:
0x1f: {  	s19 =	simm.s32 @!p0 $0xF100;
	[sflag:s1] =	ssyncadd.s32 @!p0 $0xFFFFFFF0;
	(pc) =	sbr.rel @!p1 .LBB2_10-.Ltmp1, $4  }
0x20: {  	[hbm4b:s16+s0] =	stream.linear.scatter @!p0 [tilespmem:s19], [sflag:$0x1], $0x800, $0x38;
	[tilespmem:$0xF900] =	vst v63  }
0x21: {  	_ =	swait.ge @!p0 [sflag:s1], $0x800  }
0x22: {  	[sflag:s1] =	ssyncset.done @!p0 $0x0  }
0x23: {  	[sflag:s1] =	ssyncadd.s32 @!p0 $0xFFFFF800  }
.LBB2_1:
0x24: {  	[tilespmem:s2], [sflag:$0x1] =	stream.linear.gather [hbm4b:s3+s2], $0x1000, $0x38;
	[tilespmem:$0xF900] =	vst v63  }
0x25: {  	_ =	swait.ge [sflag:s18], $0x1000  }
0x26: {  	[sflag:s18] =	ssyncset.done $0x0  }
0x27: {  	s0 =	simm.s32 $0x1000;
	[sflag:s18] =	ssyncadd.s32 $0xFFFFF000  }
0x28: {  	[tilespmem:s0], [sflag:$0x1] =	stream.linear.gather [hbm4b:s5+s2], $0x1B0, $0x38;
	[tilespmem:$0xF900] =	vst v63  }
0x29: {  	_ =	swait.ge [sflag:s18], $0x1B0  }
0x2a: {  	[sflag:s18] =	ssyncset.done $0x0  }
0x2b: {  	s30 =	simm.s32 $0x11C0;
	[sflag:s18] =	ssyncadd.s32 $0xFFFFFE50  }
0x2c: {  	[tilespmem:s30], [sflag:$0x1] =	stream.linear.gather [hbm4b:s6+s2], $0x1B0, $0x38;
	[tilespmem:$0xF900] =	vst v63  }
0x2d: {  	_ =	swait.ge [sflag:s18], $0x1B0  }
0x2e: {  	[sflag:s18] =	ssyncset.done $0x0  }
0x2f: {  	s31 =	simm.s32 $0x1380;
	[sflag:s18] =	ssyncadd.s32 $0xFFFFFE50  }
0x30: {  	[tilespmem:s31], [sflag:$0x1] =	stream.linear.gather [hbm4b:s7+s2], $0x1B0, $0x38;
	[tilespmem:$0xF900] =	vst v63  }
0x31: {  	_ =	swait.ge [sflag:s18], $0x1B0  }
0x32: {  	[sflag:s18] =	ssyncset.done $0x0  }
0x33: {  	[sflag:s18] =	ssyncadd.s32 $0xFFFFFE50  }
0x34: {  	[tilespmem:s22], [sflag:$0x1] =	stream.linear.gather [hbm4b:s8+s2], $0x1B0, $0x38;
	[tilespmem:$0xF900] =	vst v63  }
0x35: {  	_ =	swait.ge [sflag:s18], $0x1B0  }
0x36: {  	[sflag:s18] =	ssyncset.done $0x0  }
0x37: {  	s1 =	simm.s32 @!p0 $0x11B0;
	s0 =	simm.s32 @!p0 $0x0;
	[sflag:s18] =	ssyncadd.s32 $0xFFFFFE50  }
0x38: {  	[tilespmem:s1], [sflag:$0x1] =	stream.linear.gather @!p0 [hbm4b:s9+s0], $0x10, $0x38;
	[tilespmem:$0xF900] =	vst v63  }
0x39: {  	s1 =	simm.s32 @!p0 $0x1  }
0x3a: {  	_ =	swait.ge @!p0 [sflag:s1], $0x10  }
0x3b: {  	[sflag:s1] =	ssyncset.done @!p0 $0x0  }
0x3c: {  	s19 =	simm.s32 @!p0 $0x1370;
	[sflag:s1] =	ssyncadd.s32 @!p0 $0xFFFFFFF0  }
0x3d: {  	[tilespmem:s19], [sflag:$0x1] =	stream.linear.gather @!p0 [hbm4b:s10+s0], $0x10, $0x38;
	[tilespmem:$0xF900] =	vst v63  }
0x3e: {  	_ =	swait.ge @!p0 [sflag:s1], $0x10  }
0x3f: {  	[sflag:s1] =	ssyncset.done @!p0 $0x0  }
0x40: {  	s19 =	simm.s32 @!p0 $0x1530;
	[sflag:s1] =	ssyncadd.s32 @!p0 $0xFFFFFFF0  }
0x41: {  	[tilespmem:s19], [sflag:$0x1] =	stream.linear.gather @!p0 [hbm4b:s11+s0], $0x10, $0x38;
	[tilespmem:$0xF900] =	vst v63  }
0x42: {  	_ =	swait.ge @!p0 [sflag:s1], $0x10  }
0x43: {  	[sflag:s1] =	ssyncset.done @!p0 $0x0  }
.Ltmp2:
0x44: {  	s19 =	simm.s32 @!p0 $0x16F0;
	[sflag:s1] =	ssyncadd.s32 @!p0 $0xFFFFFFF0;
	(pc) =	sbr.rel .LBB2_2-.Ltmp2, $4  }
0x45: {  	[tilespmem:s19], [sflag:$0x1] =	stream.linear.gather @!p0 [hbm4b:s12+s0], $0x10, $0x38;
	[tilespmem:$0xF900] =	vst v63  }
0x46: {  	_ =	swait.ge @!p0 [sflag:s1], $0x10  }
0x47: {  	[sflag:s1] =	ssyncset.done @!p0 $0x0  }
0x48: {  	s26 =	simm.s32 $0x0;
	[sflag:s1] =	ssyncadd.s32 @!p0 $0xFFFFFFF0  }
.LBB2_8:
0x49: {  	vm1 =	vlt.s32 v18, $0x4000  }
0x4a: {  	v5 =	vnsel vm1, $0x0, v18  }
0x4b: {  	v6 =	vshll.u32 v5, $0x3  }
0x4c: {  	v5 =	vand.u32 $0x7F, v5;
	v6 =	vand.u32 $0xFFFFFC00, v6  }
0x4d: {  	v5 =	vor.u32 v5, v6;
	_ =	sdelay $0x1  }
0x4e: {  	vm2 =	vmxor vm1, vm2;
	v55 =	vsel vm1, $0x1, v0  }
0x4f: {  	v6 =	vsel vm2, $0xFFFFFFFF, v55  }
0x50: {  	[tilespmem:s28+$0x1700] =	vst v6  }
0x51: {  	v6 =	vld.idx.msk [tilespmem:v5+s2+$0x0], $0xffff  }
0x52: {  	v7 =	vmov s28  }
0x53: {  	v7 =	vshll.u32 v7, $0x7  }
0x54: {  	v7 =	vor.u32 v1, v7  }
0x55: {  	v8 =	vor.u32 $0x80, v5  }
0x56: {  	v4 =	vsub.f32 v6, v4;
	_ =	sdelay $0x1  }
0x57: {  	v4 =	vnsel vm1, $0x0, v4  }
0x58: {  	[tilespmem:v7+s23+$0x0] =	vst.idx.msk $0xffff, v4  }
0x59: {  	v4 =	vld.idx.msk [tilespmem:v8+s2+$0x0], $0xffff;
	_ =	sdelay $0x2  }
0x5a: {  	v56 =	vor.u32 $0x1, v7  }
0x5b: {  	v57 =	vor.u32 $0x100, v5  }
0x5c: {  	v3 =	vsub.f32 v4, v3;
	_ =	sdelay $0x1  }
0x5d: {  	v3 =	vnsel vm1, $0x0, v3  }
0x5e: {  	[tilespmem:v56+s23+$0x0] =	vst.idx.msk $0xffff, v3  }
0x5f: {  	v3 =	vld.idx.msk [tilespmem:v57+s2+$0x0], $0xffff;
	_ =	sdelay $0x2  }
0x60: {  	v58 =	vor.u32 $0x2, v7  }
0x61: {  	v59 =	vadd.s32 $0x980, v5  }
0x62: {  	v2 =	vsub.f32 v3, v2;
	_ =	sdelay $0x1  }
0x63: {  	v2 =	vnsel vm1, $0x0, v2  }
0x64: {  	[tilespmem:v58+s23+$0x0] =	vst.idx.msk $0xffff, v2  }
0x65: {  	v2 =	vld.idx.msk [tilespmem:v59+s2+$0x0], $0xffff  }
0x66: {  	v3 =	vor.u32 $0x3, v7  }
0x67: {  	v60 =	vadd.s32 $0xA00, v5;
	_ =	sdelay $0x2  }
0x68: {  	v2 =	vnsel vm1, $0x0, v2  }
0x69: {  	[tilespmem:v3+s23+$0x0] =	vst.idx.msk $0xffff, v2  }
0x6a: {  	v2 =	vld.idx.msk [tilespmem:v60+s2+$0x0], $0xffff  }
0x6b: {  	v3 =	vor.u32 $0x4, v7  }
0x6c: {  	v61 =	vadd.s32 $0xA80, v5;
	_ =	sdelay $0x2  }
0x6d: {  	v2 =	vnsel vm1, $0x0, v2  }
0x6e: {  	[tilespmem:v3+s23+$0x0] =	vst.idx.msk $0xffff, v2  }
0x6f: {  	v2 =	vld.idx.msk [tilespmem:v61+s2+$0x0], $0xffff  }
0x70: {  	v3 =	vor.u32 $0x5, v7  }
0x71: {  	v62 =	vor.u32 $0x180, v5;
	_ =	sdelay $0x2  }
0x72: {  	v2 =	vnsel vm1, $0x0, v2  }
0x73: {  	[tilespmem:v3+s23+$0x0] =	vst.idx.msk $0xffff, v2  }
0x74: {  	v2 =	vld.idx.msk [tilespmem:v62+s2+$0x0], $0xffff  }
0x75: {  	v3 =	vor.u32 $0x6, v7  }
0x76: {  	v63 =	vor.u32 $0x200, v5;
	_ =	sdelay $0x2  }
0x77: {  	v2 =	vnsel vm1, $0x0, v2  }
0x78: {  	[tilespmem:v3+s23+$0x0] =	vst.idx.msk $0xffff, v2  }
0x79: {  	s26 =	sadd.s32 $0x1, s26;
	v2 =	vld.idx.msk [tilespmem:v63+s2+$0x0], $0xffff  }
0x7a: {  	p1 =	sne.s32 s26, s4;
	v3 =	vor.u32 $0x7, v7  }
.Ltmp3:
0x7b: {  	_ = 	snop;
	(pc) =	sbr.rel @!p1 .LBB2_9-.Ltmp3, $3  }
0x7c: {  	_ =	sdelay $0x1  }
0x7d: {  	v2 =	vnsel vm1, $0x0, v2  }
0x7e: {  	[tilespmem:v3+s23+$0x0] =	vst.idx.msk $0xffff, v2  }
.LBB2_2:
0x7f: {  	s28 =	sshll.u32 s26, $0x4  }
0x80: {  	v2 =	vld [tilespmem:s28+$0x1000];
	_ =	sdelay $0x4  }
0x81: {  	v2 =	vtrunc.f32 v2  }
0x82: {  	v5 =	vcvt.f32.s32 v2;
	_ =	sdelay $0x1  }
0x83: {  	(v2sf) =	vpush v5, $0x0  }
0x84: {  	(v2sf) =	vpush v5, $0xF;
	_ =	sdelay $0xd  }
0x85: {  	s0 =	spop (v2sf)  }
0x86: {  	s1 =	spop (v2sf)  }
0x87: {  	s1 =	sshll.u32 s1, $0x2  }
0x88: {  	s29 =	sshll.u32 s0, $0x2;
	s30 =	sadd.s32 $0x4, s1  }
0x89: {  	p1 =	sge.s32 s29, s30  }
.Ltmp4:
0x8a: {  	_ = 	snop;
	(pc) =	sbr.rel @p1 .LBB2_8-.Ltmp4, $4  }
0x8b: {  	_ = 	snop  }
0x8c: {  	v4 =	vld [tilespmem:s28+$0x11C0]  }
0x8d: {  	v3 =	vld [tilespmem:s28+$0x1380]  }
0x8e: {  	v18 =	vimm.s32 $0x4000;
	vm2 =	vmmov vm0;
	v2 =	vld [tilespmem:s28+$0x1540]  }
0x8f: {  	s31 =	sshll.u32 s0, $0x6;
	v18 =	vimm.s32 $0x4000;
	v6 =	vimm.s32 $0x0  }
.LBB2_4:
0x90: {  	s0 =	sshll.u32 s29, $0x4;
	s1 =	sshll.u32 s29, $0x7  }
0x91: {  	s0 =	sand.u32 $0x70, s0;
	s19 =	sand.u32 $0xFFFFFC00, s1  }
0x92: {  	s19 =	sor.u32 s0, s19  }
0x93: {  	v12 =	vld [tilespmem:s19+$0x0]  }
0x94: {  	v13 =	vld [tilespmem:s19+$0x80]  }
0x95: {  	v11 =	vld [tilespmem:s19+$0x180]  }
0x96: {  	s20 =	simm.s32 $0x0;
	v10 =	vld [tilespmem:s19+$0x200]  }
0x97: {  	s21 =	sand.u32 $0x3, s29;
	p2 =	slt.s32 s29, $0x1;
	v19 =	vmov s20;
	v7 =	vld [tilespmem:s19+$0x100]  }
0x98: {  	s20 =	sshra.s32 s29, $0x1F;
	p1 =	sne.s32 s21, $0x0;
	s0 =	sor.u32 s0, s1;
	v8 =	vld [tilespmem:s19+$0x280];
	v9 =	vperm.xlane v12, v19  }
0x99: {  	s20 =	sshrl.u32 s20, $0x1E;
	p1 =	por !p2, !p1;
	v17 =	vld [tilespmem:s19+$0x800];
	s0 =	sor.u32 $0x380, s0;
	v14 =	vperm.xlane v13, v19  }
0x9a: {  	s1 =	simm.s32 $0x1;
	s20 =	sadd.s32 s20, s29;
	p1 =	por !p1, !p1;
	v16 =	vld [tilespmem:s0+$0x0];
	v20 =	vperm.xlane v11, v19;
	v15 =	vsub.f32 v4, v9  }
0x9b: {  	s20 =	sshra.s32 s20, $0x2;
	s1 =	simm.s32 @!p1 $0x0;
	v22 =	vperm.xlane v10, v19;
	v9 =	vld [tilespmem:s19+$0x880];
	v21 =	vsub.f32 v3, v14  }
0x9c: {  	s1 =	ssub.s32 s20, s1;
	v14 =	vld [tilespmem:s19+$0x300];
	v23 =	vsub.f32 $0.0e+00, v15;
	v24 =	vmul.f32 v20, v15  }
0x9d: {  	v26 =	vmov s1;
	v25 =	vmul.f32 v22, v21;
	v20 =	vmul.f32 v20, v21;
	v15 =	vld [tilespmem:s19+$0x900]  }
0x9e: {  	vm1 =	veq.s32 v26, v5;
	v22 =	vmul.f32 v22, v23;
	v23 =	vperm.xlane v7, v19  }
0x9f: {  	v27 =	vperm.xlane v16, v19;
	v21 =	vperm.xlane v17, v19;
	v24 =	vadd.f32 v25, v24  }
0xa0: {  	v55 =	vperm.xlane v9, v19;
	v20 =	vadd.f32 v22, v20;
	v22 =	vsub.f32 v2, v23  }
0xa1: {  	v56 =	vperm.xlane v14, v19;
	v23 =	vperm.xlane v8, v19;
	v24 =	vand.u32 $0x7FFFFFFF, v24  }
0xa2: {  	s21 =	sadd.s32 $0x0, s31;
	v19 =	vperm.xlane v15, v19;
	v20 =	vand.u32 $0x7FFFFFFF, v20;
	v22 =	vand.u32 $0x7FFFFFFF, v22  }
0xa3: {  	s20 =	simm.s32 $0x1;
	vm2 =	vle.f32 v24, v23;
	v23 =	vmov s21;
	vm3 =	vle.f32 v20, v56  }
0xa4: {  	vm4 =	vle.f32 v20, v55;
	v20 =	vmov s20;
	vm2 =	vmand vm2, vm3  }
0xa5: {  	vm3 =	vle.f32 v22, v27;
	v57 =	vperm.xlane v13, v20;
	v58 =	vperm.xlane v17, v20  }
0xa6: {  	vm2 =	vmand vm3, vm2;
	vm3 =	vle.f32 v24, v21;
	v21 =	vperm.xlane v12, v20  }
0xa7: {  	v59 =	vperm.xlane v11, v20;
	v60 =	vperm.xlane v10, v20;
	vm2 =	vmand vm1, vm2  }
0xa8: {  	v28 =	vperm.xlane v9, v20;
	v23 =	vnsel vm2, $0x4000, v23;
	v21 =	vsub.f32 v4, v21  }
0xa9: {  	v61 =	vperm.xlane v8, v20;
	v24 =	vsub.f32 v3, v57;
	vm2 =	vlt.s32 v18, v23  }
0xaa: {  	v62 =	vperm.xlane v14, v20;
	v18 =	vsel vm2, v18, v23;
	v23 =	vsub.f32 $0.0e+00, v21  }
0xab: {  	v29 =	vmul.f32 v60, v24;
	v24 =	vmul.f32 v59, v24  }
0xac: {  	v21 =	vmul.f32 v59, v21;
	v23 =	vmul.f32 v60, v23  }
0xad: {  	vm2 =	vmand vm3, vm4;
	vm3 =	vle.f32 v22, v19;
	v22 =	vperm.xlane v7, v20  }
0xae: {  	v19 =	vperm.xlane v15, v20;
	v21 =	vadd.f32 v29, v21;
	v23 =	vadd.f32 v23, v24  }
0xaf: {  	v20 =	vperm.xlane v16, v20;
	vm2 =	vmand vm2, vm3;
	v22 =	vsub.f32 v2, v22  }
0xb0: {  	vm2 =	vmand vm1, vm2;
	v63 =	vand.u32 $0x7FFFFFFF, v21;
	v23 =	vand.u32 $0x7FFFFFFF, v23  }
0xb1: {  	s0 =	simm.s32 $0x2;
	v21 =	vand.u32 $0x7FFFFFFF, v22;
	vm3 =	vle.f32 v63, v61;
	vm4 =	vle.f32 v23, v62  }
0xb2: {  	vm5 =	vle.f32 v21, v20;
	v20 =	vmov s0;
	vm4 =	vmand vm3, vm4  }
0xb3: {  	s1 =	simm.s32 $0x3;
	s19 =	sadd.s32 $0x1, s31;
	vm3 =	vle.f32 v23, v28;
	vm5 =	vmand vm5, vm4;
	vm4 =	vle.f32 v63, v58  }
.LBB2_5:
0xb4: {  	p1 =	sne.s32 s1, $0xF;
	v22 =	vperm.xlane v12, v20;
	vm5 =	vmand vm1, vm5;
	v23 =	vmov s19  }
0xb5: {  	v24 =	vperm.xlane v13, v20;
	v25 =	vperm.xlane v17, v20;
	v23 =	vnsel vm5, $0x4000, v23  }
0xb6: {  	v26 =	vperm.xlane v11, v20;
	v22 =	vsub.f32 v4, v22;
	vm5 =	vlt.s32 v18, v23  }
0xb7: {  	v27 =	vperm.xlane v10, v20;
	v24 =	vsub.f32 v3, v24;
	v18 =	vsel vm5, v18, v23  }
0xb8: {  	v28 =	vperm.xlane v9, v20;
	v29 =	vperm.xlane v15, v20;
	v23 =	vsub.f32 $0.0e+00, v22  }
0xb9: {  	vm3 =	vmand vm4, vm3;
	v22 =	vmul.f32 v26, v22;
	v30 =	vmul.f32 v27, v24  }
0xba: {  	vm4 =	vle.f32 v21, v19;
	v19 =	vmovc v29;
	v24 =	vmul.f32 v26, v24;
	v23 =	vmul.f32 v27, v23  }
0xbb: {  	v21 =	vperm.xlane v7, v20;
	v6 =	vsel vm2, $0x1, v6;
	vm3 =	vmand vm3, vm4  }
0xbc: {  	vm2 =	vmand vm1, vm3;
	v22 =	vadd.f32 v30, v22;
	v23 =	vadd.f32 v23, v24  }
.Ltmp5:
0xbd: {  	v21 =	vsub.f32 v2, v21;
	v26 =	vperm.xlane v14, v20;
	v24 =	vperm.xlane v8, v20;
	(pc) =	sbr.rel @p1 .LBB2_5-.Ltmp5, $4  }
0xbe: {  	v22 =	vand.u32 $0x7FFFFFFF, v22;
	v20 =	vperm.xlane v16, v20;
	v23 =	vand.u32 $0x7FFFFFFF, v23  }
0xbf: {  	v21 =	vand.u32 $0x7FFFFFFF, v21;
	vm3 =	vle.f32 v22, v24;
	vm4 =	vle.f32 v23, v26  }
0xc0: {  	vm5 =	vle.f32 v21, v20;
	vm4 =	vmand vm3, vm4;
	vm3 =	vle.f32 v23, v28  }
0xc1: {  	s19 =	sadd.s32 s0, s31;
	s0 =	smov.u32 s1;
	v20 =	vmov s1;
	s1 =	sadd.s32 $0x1, s1;
	vm5 =	vmand vm5, vm4;
	vm4 =	vle.f32 v22, v25  }
0xc2: {  	v12 =	vperm.xlane v12, v20;
	v13 =	vperm.xlane v13, v20  }
0xc3: {  	vm5 =	vmand vm1, vm5;
	v22 =	vmov s19;
	v11 =	vperm.xlane v11, v20  }
0xc4: {  	v10 =	vperm.xlane v10, v20;
	v17 =	vperm.xlane v17, v20;
	v12 =	vsub.f32 v4, v12  }
0xc5: {  	v7 =	vperm.xlane v7, v20;
	v8 =	vperm.xlane v8, v20;
	v13 =	vsub.f32 v3, v13  }
0xc6: {  	v61 =	vperm.xlane v14, v20;
	v62 =	vperm.xlane v16, v20;
	v23 =	vsub.f32 $0.0e+00, v12  }
0xc7: {  	vm3 =	vmand vm4, vm3;
	v12 =	vmul.f32 v11, v12;
	v24 =	vmul.f32 v10, v13  }
0xc8: {  	vm8 =	vle.f32 v21, v19;
	v11 =	vmul.f32 v11, v13;
	v10 =	vmul.f32 v10, v23  }
0xc9: {  	v63 =	vperm.xlane v15, v20;
	v22 =	vnsel vm5, $0x4000, v22;
	v7 =	vsub.f32 v2, v7  }
0xca: {  	vm3 =	vmand vm3, vm8;
	v12 =	vadd.f32 v24, v12;
	v10 =	vadd.f32 v10, v11  }
0xcb: {  	v6 =	vsel vm2, $0x1, v6;
	vm5 =	vlt.s32 v18, v22;
	vm3 =	vmand vm1, vm3  }
0xcc: {  	v7 =	vand.u32 $0x7FFFFFFF, v7;
	v12 =	vand.u32 $0x7FFFFFFF, v12;
	v10 =	vand.u32 $0x7FFFFFFF, v10  }
0xcd: {  	s29 =	sadd.s32 $0x1, s29;
	vm9 =	vle.f32 v12, v8;
	v8 =	vperm.xlane v9, v20;
	vm10 =	vle.f32 v10, v61  }
0xce: {  	p1 =	sne.s32 s29, s30;
	vm11 =	vle.f32 v7, v62;
	vm14 =	vle.f32 v7, v63;
	vm4 =	vmand vm9, vm10  }
.Ltmp6:
0xcf: {  	s0 =	sadd.s32 s0, s31;
	vm13 =	vle.f32 v12, v17;
	vm12 =	vle.f32 v10, v8;
	vm2 =	vmand vm11, vm4;
	(pc) =	sbr.rel @p1 .LBB2_4-.Ltmp6, $4  }
0xd0: {  	v8 =	vmov s0;
	vm4 =	vmand vm13, vm12;
	vm2 =	vmand vm1, vm2  }
0xd1: {  	v18 =	vsel vm5, v18, v22;
	v7 =	vnsel vm2, $0x4000, v8;
	vm2 =	vmand vm4, vm14  }
0xd2: {  	v6 =	vsel vm3, $0x1, v6;
	vm15 =	vlt.s32 v18, v7;
	vm1 =	vmand vm1, vm2  }
0xd3: {  	s31 =	sadd.s32 $0x10, s31;
	v18 =	vsel vm15, v18, v7;
	v6 =	vsel vm1, $0x1, v6  }
.Ltmp7:
0xd4: {  	(pc) =	sbr.rel .LBB2_8-.Ltmp7, $2  }
0xd5: {  	_ =	sdelay $0x2  }
0xd6: {  	vm2 =	vne.s32 v6, $0x0  }
.LBB2_10:
0xd7: {  	_ =	sfence.sel $0x180000  }
0xd8: {  	[bflag:$0x0] =	sbarrier.arrive $0xFFFF  }
0xd9: {  	_ =	strace $0x90000047  }
0xda: {  	s0 =	stileid.u32;
	[bflag:$0x2] =	sbarrier.arrive $0xFFFF  }
0xdb: {  	p0 =	sne.s32 s0, $0x0;
	s0 =	rddreg [dreg:$0x3]  }
0xdc: {  	s0 =	sadd.s32 @!p0 $0x100000, s0  }
0xdd: {  	[sflag:s0] =	ssyncadd.tile.s32 @!p0 $0x1;
	_ =	shalt  }
.Lfunc_end2:
_tile_overlayer_lowered:
.L_overlay_start_2:
0xde: {  	(tag) =	ssettag $0x2  }
0xdf: {  	s0 =	rddreg [dreg:$0x0];
	s2 =	stileid.u32  }
0xe0: {  	s1 =	rddreg [dreg:$0x1];
	p0 =	sne.s32 s2, $0x0  }
0xe1: {  	s3 =	rddreg [dreg:$0x2];
	[bflag:$0x3] =	sbarrier.arrive $0xFFFF;
	s2 =	simm.s32 @!p0 $0x1C01  }
0xe2: {  	[timem:s3], [sflag:s2] =	dma.local @!p0 [hbm:s0], s1  }
0xe3: {  	s0 =	simm.s32 @!p0 $0x1  }
0xe4: {  	_ =	swait.ge @!p0 [sflag:s0], s1  }
0xe5: {  	s1 =	ssub.s32 @!p0 $0x0, s1;
	[sflag:s0] =	ssyncset.done @!p0 $0x0  }
0xe6: {  	[sflag:s0] =	ssyncadd.s32 @!p0 s1  }
0xe7: {  	[bflag:$0x3] =	sbarrier.arrive $0xFFFF  }
0xe8: {  	_ =	shalt  }

</sc_bundles>
